<compile_context>
chip_gen: v7x
topology: tpu7x:2x2x1
jax: 0.10.2.dev20260603
libtpu: 0.0.44.dev20260713+nightly
codegen_flags: <defaults>
</compile_context>

<pallas_src>
import functools

import jax
import jax.numpy as jnp
from jax import lax
from jax.experimental import pallas as pl
from jax.experimental.pallas import tpu as pltpu
from jax.experimental.pallas import tpu_sc as plsc

HIDDEN = 512
B = 16384
NFEAT = 47
VOCAB = 128
EMB = HIDDEN // 4

NW = 32
B_SC = 11264
BT = B_SC // NW
TC_BLK = 256
HEAD_BLOCKS = B_SC // TC_BLK


def _sc_disc_body(tab_hbm, idx_hbm, out_hbm, tab_v, idx_v, out_v):
    wid = lax.axis_index("s") * 2 + lax.axis_index("c")
    base = wid * BT
    pltpu.sync_copy(tab_hbm, tab_v)
    pltpu.sync_copy(idx_hbm.at[pl.ds(base * NFEAT, BT * NFEAT)],
                    idx_v.at[pl.ds(0, BT * NFEAT)])

    def pbody(p, carry):
        pf = p * NFEAT
        iv = [idx_v[pl.ds(pf + 16 * k, 16)] for k in range(3)]
        idxs = [iv[k][j] for k in range(3) for j in range(16)][:NFEAT]
        rows = [idx * 2 for idx in idxs]
        grp = [[], [], [], []]
        for f in range(NFEAT):
            grp[f % 4].append(rows[f])

        for u in range(4):
            gacc = []
            for g in range(4):
                a = tab_v[pl.ds(grp[g][0], 2), pl.ds(16 * u, 16)]
                for r in grp[g][1:]:
                    a = jnp.maximum(
                        a, tab_v[pl.ds(r, 2), pl.ds(16 * u, 16)])
                gacc.append(a)
            acc = jnp.maximum(jnp.maximum(gacc[0], gacc[1]),
                              jnp.maximum(gacc[2], gacc[3]))
            out_v[pl.ds(p * 2, 2), pl.ds(16 * u, 16)] = acc
        return carry

    lax.fori_loop(0, BT, pbody, 0)
    pltpu.sync_copy(out_v, out_hbm.at[pl.ds(base * 2, BT * 2)])


def _sc_disc(tab_rows, player_flat):
    mesh = plsc.VectorSubcoreMesh(core_axis_name="c", subcore_axis_name="s")
    k = functools.partial(
        pl.kernel,
        mesh=mesh,
        out_type=jax.ShapeDtypeStruct((B_SC * 2, EMB // 2), jnp.bfloat16),
        scratch_types=[
            pltpu.VMEM((VOCAB * 2, EMB // 2), jnp.bfloat16),
            pltpu.VMEM((BT * NFEAT + 16,), jnp.int32),
            pltpu.VMEM((BT * 2, EMB // 2), jnp.bfloat16),
        ],
    )(_sc_disc_body)
    return k(tab_rows, player_flat)


def _make_tabd(tab_bf):
    return tab_bf.reshape(VOCAB * 2, EMB // 2)


def _adjust(p, i, base):
    rows = jax.lax.broadcasted_iota(jnp.int32, (TC_BLK, NFEAT), 0) \
        + i * TC_BLK + base
    return jnp.where(rows >= B - 2, p // 10, p)


def _cont_body(p_ref, w_ref, b_ref, o_ref):
    p = _adjust(p_ref[...], pl.program_id(0), 0)
    x = p.astype(jnp.float32) / 99.0
    o_ref[...] = jax.lax.dot_general(
        x, w_ref[...], (((1,), (0,)), ((), ())),
        preferred_element_type=jnp.float32) + b_ref[...]


def _tc_cont(player, wT, b2):
    return pl.pallas_call(
        _cont_body,
        grid=(B // TC_BLK,),
        in_specs=[
            pl.BlockSpec((TC_BLK, NFEAT), lambda i: (i, 0)),
            pl.BlockSpec((NFEAT, EMB), lambda i: (0, 0)),
            pl.BlockSpec((1, EMB), lambda i: (0, 0)),
        ],
        out_specs=pl.BlockSpec((TC_BLK, EMB), lambda i: (i, 0)),
        out_shape=jax.ShapeDtypeStruct((B, EMB), jnp.float32),
    )(player, wT, b2)


def _tail_body(p_ref, tab_ref, o_ref):
    p = _adjust(p_ref[...], pl.program_id(0), B_SC)
    tab = tab_ref[...]
    acc = jnp.full((TC_BLK, EMB), -jnp.inf, jnp.float32)
    for f in range(NFEAT):
        col = jax.lax.slice(p, (0, f), (TC_BLK, f + 1))
        oh = (col == jax.lax.broadcasted_iota(
            jnp.int32, (TC_BLK, VOCAB), 1)).astype(jnp.bfloat16)
        emb_f = jax.lax.dot_general(
            oh, tab, (((1,), (0,)), ((), ())),
            preferred_element_type=jnp.float32)
        acc = jnp.maximum(acc, emb_f)
    o_ref[...] = acc


def _tc_tail(player, tab_bf):
    n = B - B_SC
    return pl.pallas_call(
        _tail_body,
        grid=(n // TC_BLK,),
        in_specs=[
            pl.BlockSpec((TC_BLK, NFEAT), lambda i: (i + HEAD_BLOCKS, 0)),
            pl.BlockSpec((VOCAB, EMB), lambda i: (0, 0)),
        ],
        out_specs=pl.BlockSpec((TC_BLK, EMB), lambda i: (i, 0)),
        out_shape=jax.ShapeDtypeStruct((n, EMB), jnp.float32),
    )(player, tab_bf)


def kernel(player, embed_table, W_cont, b_cont):
    tab_bf = embed_table.astype(jnp.bfloat16)
    wT = W_cont.T
    b2 = b_cont.reshape(1, EMB)

    disc_head = _sc_disc(_make_tabd(tab_bf),
                         player[:B_SC].reshape(B_SC * NFEAT))
    cont = _tc_cont(player, wT, b2)
    disc_tail = _tc_tail(player, tab_bf)
    disc = jnp.concatenate(
        [disc_head.reshape(B_SC, EMB).astype(jnp.float32), disc_tail],
        axis=0)
    return jnp.concatenate([disc, cont], axis=1)

# --- scband reference (transcript-rebuilt; emitter-appended) ---
"""Pipeline reference for scband-player-encoder-64330020160190 (READ-ONLY COPY).

The authoritative reference and input builder live on the scoring server;
editing this copy changes nothing except your own understanding.
"""

import jax, jax.numpy as jnp
import numpy as np

HIDDEN = 512
B = 16384
NFEAT = 47
VOCAB = 128
EMB = HIDDEN // 4  # 128

def setup_inputs(seed: int = 0) -> dict:
    key = jax.random.key(seed)
    k1, k2, k3 = jax.random.split(key, 3)
    player = jax.random.randint(k1, (B, NFEAT), 0, 99, dtype=jnp.int32)
    embed_table = jax.random.normal(k2, (VOCAB, EMB), dtype=jnp.float32)
    # layer_init(nn.Linear(47, hidden//4)) approximated with small-scale normal weights, zero bias
    W_cont = jax.random.normal(k3, (EMB, NFEAT), dtype=jnp.float32) * 0.1
    b_cont = jnp.zeros((EMB,), dtype=jnp.float32)
    return {"player": player, "embed_table": embed_table, "W_cont": W_cont, "b_cont": b_cont}

def reference(player, embed_table, W_cont, b_cont):
    # torch: player[-2:] /= 10 (in-place on index tensor); translated as floor-div to stay integer
    player = player.at[-2:].set(player[-2:] // 10)
    # player_discrete = embed(player).max(dim=1)[0]
    emb = jnp.take(embed_table, player, axis=0)          # [B, 47, EMB]
    player_discrete = jnp.max(emb, axis=1)                # [B, EMB]
    # player_continuous = Linear(player.float() / 99)
    player_continuous = (player.astype(jnp.float32) / 99.0) @ W_cont.T + b_cont  # [B, EMB]
    out = jnp.concatenate([player_discrete, player_continuous], axis=1)          # [B, 2*EMB]
    return out

if __name__ == "__main__":
    import jax
    _d = setup_inputs()
    print(jax.jit(kernel)(*tuple(_d.values())))

</pallas_src>

<mosaic_0001>
#map = affine_map<(d0, d1) -> (0, 0)>
#map1 = affine_map<(d0, d1) -> (0)>
module attributes {stable_mosaic.version = 14 : i64} {
  func.func @_sc_disc_body(%arg0: i32, %arg1: i32, %arg2: memref<256x64xbf16, #tpu.memory_space<hbm>>, %arg3: memref<529408xi32, #tpu.memory_space<hbm>>, %arg4: memref<22528x64xbf16, #tpu.memory_space<hbm>>, %arg5: memref<256x64xbf16, #tpu.memory_space<vmem>>, %arg6: memref<16560xi32, #tpu.memory_space<vmem>>, %arg7: memref<704x64xbf16, #tpu.memory_space<vmem>>) attributes {dimension_semantics = [#tpu.dimension_semantics<core_parallel>, #tpu.dimension_semantics<subcore_parallel>], iteration_bounds = array<i64: 2, 16>, scalar_prefetch = 0 : i64, scratch_operands = 3 : i64, tpu.core_type = #tpu.core_type<sc_vector_subcore>, window_params = [{transform_indices = #map}, {transform_indices = #map1}, {transform_indices = #map}]} {
    %mul3A = arith.constant 2 : i32
    %mul3A_0 = arith.muli %arg1, %mul3A : i32
    %add3A = arith.addi %mul3A_0, %arg0 : i32
    %mul3A_1 = arith.constant 352 : i32
    %mul3A_2 = arith.muli %add3A, %mul3A_1 : i32
    "tpu.region"() ({
      %run_scoped3A = tpu.sem_alloc : memref<!tpu.dma_semaphore, #tpu.memory_space<semaphore_mem>>
      tpu.enqueue_dma source(%arg2 : memref<256x64xbf16, #tpu.memory_space<hbm>>) target(%arg5 : memref<256x64xbf16, #tpu.memory_space<vmem>>) target_semaphore(%run_scoped3A : memref<!tpu.dma_semaphore, #tpu.memory_space<semaphore_mem>>)
      tpu.wait_dma2 semaphore(%run_scoped3A : memref<!tpu.dma_semaphore, #tpu.memory_space<semaphore_mem>>) src(%arg2 : memref<256x64xbf16, #tpu.memory_space<hbm>>) dst(%arg5 : memref<256x64xbf16, #tpu.memory_space<vmem>>)
      tpu.yield
    }) : () -> ()
    %mul3A_3 = arith.constant 47 : i32
    %mul3A_4 = arith.muli %mul3A_2, %mul3A_3 : i32
    "tpu.region"() ({
      %run_scoped3A = tpu.sem_alloc : memref<!tpu.dma_semaphore, #tpu.memory_space<semaphore_mem>>
      %dma_start3A = arith.constant 0 : i32
      %dma_start3A_12 = tpu.memref_slice %arg6[%dma_start3A] : memref<16560xi32, #tpu.memory_space<vmem>> -> memref<16544xi32, #tpu.memory_space<vmem>>
      %dma_start3A_13 = tpu.memref_slice %arg3[%mul3A_4] : memref<529408xi32, #tpu.memory_space<hbm>> -> memref<16544xi32, #tpu.memory_space<hbm>>
      %dma_start3A_14 = arith.constant 0 : i32
      %dma_start3A_15 = tpu.memref_slice %arg6[%dma_start3A_14] : memref<16560xi32, #tpu.memory_space<vmem>> -> memref<16544xi32, #tpu.memory_space<vmem>>
      %dma_start3A_16 = tpu.memref_slice %arg3[%mul3A_4] : memref<529408xi32, #tpu.memory_space<hbm>> -> memref<16544xi32, #tpu.memory_space<hbm>>
      tpu.enqueue_dma source(%dma_start3A_16 : memref<16544xi32, #tpu.memory_space<hbm>>) target(%dma_start3A_15 : memref<16544xi32, #tpu.memory_space<vmem>>) target_semaphore(%run_scoped3A : memref<!tpu.dma_semaphore, #tpu.memory_space<semaphore_mem>>)
      %dma_wait3A = arith.constant 0 : i32
      %dma_wait3A_17 = tpu.memref_slice %arg6[%dma_wait3A] : memref<16560xi32, #tpu.memory_space<vmem>> -> memref<16544xi32, #tpu.memory_space<vmem>>
      %dma_wait3A_18 = tpu.memref_slice %arg3[%mul3A_4] : memref<529408xi32, #tpu.memory_space<hbm>> -> memref<16544xi32, #tpu.memory_space<hbm>>
      %dma_wait3A_19 = arith.constant 0 : i32
      %dma_wait3A_20 = tpu.memref_slice %arg6[%dma_wait3A_19] : memref<16560xi32, #tpu.memory_space<vmem>> -> memref<16544xi32, #tpu.memory_space<vmem>>
      %dma_wait3A_21 = tpu.memref_slice %arg3[%mul3A_4] : memref<529408xi32, #tpu.memory_space<hbm>> -> memref<16544xi32, #tpu.memory_space<hbm>>
      tpu.wait_dma2 semaphore(%run_scoped3A : memref<!tpu.dma_semaphore, #tpu.memory_space<semaphore_mem>>) src(%dma_wait3A_21 : memref<16544xi32, #tpu.memory_space<hbm>>) dst(%dma_wait3A_20 : memref<16544xi32, #tpu.memory_space<vmem>>)
      tpu.yield
    }) : () -> ()
    %scan3A = arith.constant 0 : i32
    %scan3A_5 = arith.constant 0 : i32
    %scan3A_6 = arith.constant 352 : i32
    %scan3A_7 = arith.addi %scan3A_5, %scan3A_6 : i32
    %scan3A_8 = arith.constant 1 : i32
    scf.for %scan3A_12 = %scan3A_5 to %scan3A_7 step %scan3A_8  : i32 {
      %mul3A_13 = arith.constant 47 : i32
      %mul3A_14 = arith.muli %scan3A_12, %mul3A_13 : i32
      %add3A_15 = arith.constant 0 : i32
      %add3A_16 = arith.addi %mul3A_14, %add3A_15 : i32
      %get3A = arith.index_cast %add3A_16 : i32 to index
      %get3A_17 = tpu.vector_load %arg6[%get3A] {strides = array<i32>} : memref<16560xi32, #tpu.memory_space<vmem>>, vector<16xi32>,
      %get3A_18 = vector.shape_cast %get3A_17 : vector<16xi32> to vector<16xi32>
      %add3A_19 = arith.constant 16 : i32
      %add3A_20 = arith.addi %mul3A_14, %add3A_19 : i32
      %get3A_21 = arith.index_cast %add3A_20 : i32 to index
      %get3A_22 = tpu.vector_load %arg6[%get3A_21] {strides = array<i32>} : memref<16560xi32, #tpu.memory_space<vmem>>, vector<16xi32>,
      %get3A_23 = vector.shape_cast %get3A_22 : vector<16xi32> to vector<16xi32>
      %add3A_24 = arith.constant 32 : i32
      %add3A_25 = arith.addi %mul3A_14, %add3A_24 : i32
      %get3A_26 = arith.index_cast %add3A_25 : i32 to index
      %get3A_27 = tpu.vector_load %arg6[%get3A_26] {strides = array<i32>} : memref<16560xi32, #tpu.memory_space<vmem>>, vector<16xi32>,
      %get3A_28 = vector.shape_cast %get3A_27 : vector<16xi32> to vector<16xi32>
      %slice3A = vector.extract_strided_slice %get3A_18 {offsets = [0], sizes = [1], strides = [1]} : vector<16xi32> to vector<1xi32>
      %squeeze3A = vector.extract %slice3A[0] : i32 from vector<1xi32>
      %slice3A_29 = vector.extract_strided_slice %get3A_18 {offsets = [1], sizes = [1], strides = [1]} : vector<16xi32> to vector<1xi32>
      %squeeze3A_30 = vector.extract %slice3A_29[0] : i32 from vector<1xi32>
      %slice3A_31 = vector.extract_strided_slice %get3A_18 {offsets = [2], sizes = [1], strides = [1]} : vector<16xi32> to vector<1xi32>
      %squeeze3A_32 = vector.extract %slice3A_31[0] : i32 from vector<1xi32>
      %slice3A_33 = vector.extract_strided_slice %get3A_18 {offsets = [3], sizes = [1], strides = [1]} : vector<16xi32> to vector<1xi32>
      %squeeze3A_34 = vector.extract %slice3A_33[0] : i32 from vector<1xi32>
      %slice3A_35 = vector.extract_strided_slice %get3A_18 {offsets = [4], sizes = [1], strides = [1]} : vector<16xi32> to vector<1xi32>
      %squeeze3A_36 = vector.extract %slice3A_35[0] : i32 from vector<1xi32>
      %slice3A_37 = vector.extract_strided_slice %get3A_18 {offsets = [5], sizes = [1], strides = [1]} : vector<16xi32> to vector<1xi32>
      %squeeze3A_38 = vector.extract %slice3A_37[0] : i32 from vector<1xi32>
      %slice3A_39 = vector.extract_strided_slice %get3A_18 {offsets = [6], sizes = [1], strides = [1]} : vector<16xi32> to vector<1xi32>
      %squeeze3A_40 = vector.extract %slice3A_39[0] : i32 from vector<1xi32>
      %slice3A_41 = vector.extract_strided_slice %get3A_18 {offsets = [7], sizes = [1], strides = [1]} : vector<16xi32> to vector<1xi32>
      %squeeze3A_42 = vector.extract %slice3A_41[0] : i32 from vector<1xi32>
      %slice3A_43 = vector.extract_strided_slice %get3A_18 {offsets = [8], sizes = [1], strides = [1]} : vector<16xi32> to vector<1xi32>
      %squeeze3A_44 = vector.extract %slice3A_43[0] : i32 from vector<1xi32>
      %slice3A_45 = vector.extract_strided_slice %get3A_18 {offsets = [9], sizes = [1], strides = [1]} : vector<16xi32> to vector<1xi32>
      %squeeze3A_46 = vector.extract %slice3A_45[0] : i32 from vector<1xi32>
      %slice3A_47 = vector.extract_strided_slice %get3A_18 {offsets = [10], sizes = [1], strides = [1]} : vector<16xi32> to vector<1xi32>
      %squeeze3A_48 = vector.extract %slice3A_47[0] : i32 from vector<1xi32>
      %slice3A_49 = vector.extract_strided_slice %get3A_18 {offsets = [11], sizes = [1], strides = [1]} : vector<16xi32> to vector<1xi32>
      %squeeze3A_50 = vector.extract %slice3A_49[0] : i32 from vector<1xi32>
      %slice3A_51 = vector.extract_strided_slice %get3A_18 {offsets = [12], sizes = [1], strides = [1]} : vector<16xi32> to vector<1xi32>
      %squeeze3A_52 = vector.extract %slice3A_51[0] : i32 from vector<1xi32>
      %slice3A_53 = vector.extract_strided_slice %get3A_18 {offsets = [13], sizes = [1], strides = [1]} : vector<16xi32> to vector<1xi32>
      %squeeze3A_54 = vector.extract %slice3A_53[0] : i32 from vector<1xi32>
      %slice3A_55 = vector.extract_strided_slice %get3A_18 {offsets = [14], sizes = [1], strides = [1]} : vector<16xi32> to vector<1xi32>
      %squeeze3A_56 = vector.extract %slice3A_55[0] : i32 from vector<1xi32>
      %slice3A_57 = vector.extract_strided_slice %get3A_18 {offsets = [15], sizes = [1], strides = [1]} : vector<16xi32> to vector<1xi32>
      %squeeze3A_58 = vector.extract %slice3A_57[0] : i32 from vector<1xi32>
      %slice3A_59 = vector.extract_strided_slice %get3A_23 {offsets = [0], sizes = [1], strides = [1]} : vector<16xi32> to vector<1xi32>
      %squeeze3A_60 = vector.extract %slice3A_59[0] : i32 from vector<1xi32>
      %slice3A_61 = vector.extract_strided_slice %get3A_23 {offsets = [1], sizes = [1], strides = [1]} : vector<16xi32> to vector<1xi32>
      %squeeze3A_62 = vector.extract %slice3A_61[0] : i32 from vector<1xi32>
      %slice3A_63 = vector.extract_strided_slice %get3A_23 {offsets = [2], sizes = [1], strides = [1]} : vector<16xi32> to vector<1xi32>
      %squeeze3A_64 = vector.extract %slice3A_63[0] : i32 from vector<1xi32>
      %slice3A_65 = vector.extract_strided_slice %get3A_23 {offsets = [3], sizes = [1], strides = [1]} : vector<16xi32> to vector<1xi32>
      %squeeze3A_66 = vector.extract %slice3A_65[0] : i32 from vector<1xi32>
      %slice3A_67 = vector.extract_strided_slice %get3A_23 {offsets = [4], sizes = [1], strides = [1]} : vector<16xi32> to vector<1xi32>
      %squeeze3A_68 = vector.extract %slice3A_67[0] : i32 from vector<1xi32>
      %slice3A_69 = vector.extract_strided_slice %get3A_23 {offsets = [5], sizes = [1], strides = [1]} : vector<16xi32> to vector<1xi32>
      %squeeze3A_70 = vector.extract %slice3A_69[0] : i32 from vector<1xi32>
      %slice3A_71 = vector.extract_strided_slice %get3A_23 {offsets = [6], sizes = [1], strides = [1]} : vector<16xi32> to vector<1xi32>
      %squeeze3A_72 = vector.extract %slice3A_71[0] : i32 from vector<1xi32>
      %slice3A_73 = vector.extract_strided_slice %get3A_23 {offsets = [7], sizes = [1], strides = [1]} : vector<16xi32> to vector<1xi32>
      %squeeze3A_74 = vector.extract %slice3A_73[0] : i32 from vector<1xi32>
      %slice3A_75 = vector.extract_strided_slice %get3A_23 {offsets = [8], sizes = [1], strides = [1]} : vector<16xi32> to vector<1xi32>
      %squeeze3A_76 = vector.extract %slice3A_75[0] : i32 from vector<1xi32>
      %slice3A_77 = vector.extract_strided_slice %get3A_23 {offsets = [9], sizes = [1], strides = [1]} : vector<16xi32> to vector<1xi32>
      %squeeze3A_78 = vector.extract %slice3A_77[0] : i32 from vector<1xi32>
      %slice3A_79 = vector.extract_strided_slice %get3A_23 {offsets = [10], sizes = [1], strides = [1]} : vector<16xi32> to vector<1xi32>
      %squeeze3A_80 = vector.extract %slice3A_79[0] : i32 from vector<1xi32>
      %slice3A_81 = vector.extract_strided_slice %get3A_23 {offsets = [11], sizes = [1], strides = [1]} : vector<16xi32> to vector<1xi32>
      %squeeze3A_82 = vector.extract %slice3A_81[0] : i32 from vector<1xi32>
      %slice3A_83 = vector.extract_strided_slice %get3A_23 {offsets = [12], sizes = [1], strides = [1]} : vector<16xi32> to vector<1xi32>
      %squeeze3A_84 = vector.extract %slice3A_83[0] : i32 from vector<1xi32>
      %slice3A_85 = vector.extract_strided_slice %get3A_23 {offsets = [13], sizes = [1], strides = [1]} : vector<16xi32> to vector<1xi32>
      %squeeze3A_86 = vector.extract %slice3A_85[0] : i32 from vector<1xi32>
      %slice3A_87 = vector.extract_strided_slice %get3A_23 {offsets = [14], sizes = [1], strides = [1]} : vector<16xi32> to vector<1xi32>
      %squeeze3A_88 = vector.extract %slice3A_87[0] : i32 from vector<1xi32>
      %slice3A_89 = vector.extract_strided_slice %get3A_23 {offsets = [15], sizes = [1], strides = [1]} : vector<16xi32> to vector<1xi32>
      %squeeze3A_90 = vector.extract %slice3A_89[0] : i32 from vector<1xi32>
      %slice3A_91 = vector.extract_strided_slice %get3A_28 {offsets = [0], sizes = [1], strides = [1]} : vector<16xi32> to vector<1xi32>
      %squeeze3A_92 = vector.extract %slice3A_91[0] : i32 from vector<1xi32>
      %slice3A_93 = vector.extract_strided_slice %get3A_28 {offsets = [1], sizes = [1], strides = [1]} : vector<16xi32> to vector<1xi32>
      %squeeze3A_94 = vector.extract %slice3A_93[0] : i32 from vector<1xi32>
      %slice3A_95 = vector.extract_strided_slice %get3A_28 {offsets = [2], sizes = [1], strides = [1]} : vector<16xi32> to vector<1xi32>
      %squeeze3A_96 = vector.extract %slice3A_95[0] : i32 from vector<1xi32>
      %slice3A_97 = vector.extract_strided_slice %get3A_28 {offsets = [3], sizes = [1], strides = [1]} : vector<16xi32> to vector<1xi32>
      %squeeze3A_98 = vector.extract %slice3A_97[0] : i32 from vector<1xi32>
      %slice3A_99 = vector.extract_strided_slice %get3A_28 {offsets = [4], sizes = [1], strides = [1]} : vector<16xi32> to vector<1xi32>
      %squeeze3A_100 = vector.extract %slice3A_99[0] : i32 from vector<1xi32>
      %slice3A_101 = vector.extract_strided_slice %get3A_28 {offsets = [5], sizes = [1], strides = [1]} : vector<16xi32> to vector<1xi32>
      %squeeze3A_102 = vector.extract %slice3A_101[0] : i32 from vector<1xi32>
      %slice3A_103 = vector.extract_strided_slice %get3A_28 {offsets = [6], sizes = [1], strides = [1]} : vector<16xi32> to vector<1xi32>
      %squeeze3A_104 = vector.extract %slice3A_103[0] : i32 from vector<1xi32>
      %slice3A_105 = vector.extract_strided_slice %get3A_28 {offsets = [7], sizes = [1], strides = [1]} : vector<16xi32> to vector<1xi32>
      %squeeze3A_106 = vector.extract %slice3A_105[0] : i32 from vector<1xi32>
      %slice3A_107 = vector.extract_strided_slice %get3A_28 {offsets = [8], sizes = [1], strides = [1]} : vector<16xi32> to vector<1xi32>
      %squeeze3A_108 = vector.extract %slice3A_107[0] : i32 from vector<1xi32>
      %slice3A_109 = vector.extract_strided_slice %get3A_28 {offsets = [9], sizes = [1], strides = [1]} : vector<16xi32> to vector<1xi32>
      %squeeze3A_110 = vector.extract %slice3A_109[0] : i32 from vector<1xi32>
      %slice3A_111 = vector.extract_strided_slice %get3A_28 {offsets = [10], sizes = [1], strides = [1]} : vector<16xi32> to vector<1xi32>
      %squeeze3A_112 = vector.extract %slice3A_111[0] : i32 from vector<1xi32>
      %slice3A_113 = vector.extract_strided_slice %get3A_28 {offsets = [11], sizes = [1], strides = [1]} : vector<16xi32> to vector<1xi32>
      %squeeze3A_114 = vector.extract %slice3A_113[0] : i32 from vector<1xi32>
      %slice3A_115 = vector.extract_strided_slice %get3A_28 {offsets = [12], sizes = [1], strides = [1]} : vector<16xi32> to vector<1xi32>
      %squeeze3A_116 = vector.extract %slice3A_115[0] : i32 from vector<1xi32>
      %slice3A_117 = vector.extract_strided_slice %get3A_28 {offsets = [13], sizes = [1], strides = [1]} : vector<16xi32> to vector<1xi32>
      %squeeze3A_118 = vector.extract %slice3A_117[0] : i32 from vector<1xi32>
      %slice3A_119 = vector.extract_strided_slice %get3A_28 {offsets = [14], sizes = [1], strides = [1]} : vector<16xi32> to vector<1xi32>
      %squeeze3A_120 = vector.extract %slice3A_119[0] : i32 from vector<1xi32>
      %slice3A_121 = vector.extract_strided_slice %get3A_28 {offsets = [15], sizes = [1], strides = [1]} : vector<16xi32> to vector<1xi32>
      %squeeze3A_122 = vector.extract %slice3A_121[0] : i32 from vector<1xi32>
      %mul3A_123 = arith.constant 2 : i32
      %mul3A_124 = arith.muli %squeeze3A, %mul3A_123 : i32
      %mul3A_125 = arith.constant 2 : i32
      %mul3A_126 = arith.muli %squeeze3A_30, %mul3A_125 : i32
      %mul3A_127 = arith.constant 2 : i32
      %mul3A_128 = arith.muli %squeeze3A_32, %mul3A_127 : i32
      %mul3A_129 = arith.constant 2 : i32
      %mul3A_130 = arith.muli %squeeze3A_34, %mul3A_129 : i32
      %mul3A_131 = arith.constant 2 : i32
      %mul3A_132 = arith.muli %squeeze3A_36, %mul3A_131 : i32
      %mul3A_133 = arith.constant 2 : i32
      %mul3A_134 = arith.muli %squeeze3A_38, %mul3A_133 : i32
      %mul3A_135 = arith.constant 2 : i32
      %mul3A_136 = arith.muli %squeeze3A_40, %mul3A_135 : i32
      %mul3A_137 = arith.constant 2 : i32
      %mul3A_138 = arith.muli %squeeze3A_42, %mul3A_137 : i32
      %mul3A_139 = arith.constant 2 : i32
      %mul3A_140 = arith.muli %squeeze3A_44, %mul3A_139 : i32
      %mul3A_141 = arith.constant 2 : i32
      %mul3A_142 = arith.muli %squeeze3A_46, %mul3A_141 : i32
      %mul3A_143 = arith.constant 2 : i32
      %mul3A_144 = arith.muli %squeeze3A_48, %mul3A_143 : i32
      %mul3A_145 = arith.constant 2 : i32
      %mul3A_146 = arith.muli %squeeze3A_50, %mul3A_145 : i32
      %mul3A_147 = arith.constant 2 : i32
      %mul3A_148 = arith.muli %squeeze3A_52, %mul3A_147 : i32
      %mul3A_149 = arith.constant 2 : i32
      %mul3A_150 = arith.muli %squeeze3A_54, %mul3A_149 : i32
      %mul3A_151 = arith.constant 2 : i32
      %mul3A_152 = arith.muli %squeeze3A_56, %mul3A_151 : i32
      %mul3A_153 = arith.constant 2 : i32
      %mul3A_154 = arith.muli %squeeze3A_58, %mul3A_153 : i32
      %mul3A_155 = arith.constant 2 : i32
      %mul3A_156 = arith.muli %squeeze3A_60, %mul3A_155 : i32
      %mul3A_157 = arith.constant 2 : i32
      %mul3A_158 = arith.muli %squeeze3A_62, %mul3A_157 : i32
      %mul3A_159 = arith.constant 2 : i32
      %mul3A_160 = arith.muli %squeeze3A_64, %mul3A_159 : i32
      %mul3A_161 = arith.constant 2 : i32
      %mul3A_162 = arith.muli %squeeze3A_66, %mul3A_161 : i32
      %mul3A_163 = arith.constant 2 : i32
      %mul3A_164 = arith.muli %squeeze3A_68, %mul3A_163 : i32
      %mul3A_165 = arith.constant 2 : i32
      %mul3A_166 = arith.muli %squeeze3A_70, %mul3A_165 : i32
      %mul3A_167 = arith.constant 2 : i32
      %mul3A_168 = arith.muli %squeeze3A_72, %mul3A_167 : i32
      %mul3A_169 = arith.constant 2 : i32
      %mul3A_170 = arith.muli %squeeze3A_74, %mul3A_169 : i32
      %mul3A_171 = arith.constant 2 : i32
      %mul3A_172 = arith.muli %squeeze3A_76, %mul3A_171 : i32
      %mul3A_173 = arith.constant 2 : i32
      %mul3A_174 = arith.muli %squeeze3A_78, %mul3A_173 : i32
      %mul3A_175 = arith.constant 2 : i32
      %mul3A_176 = arith.muli %squeeze3A_80, %mul3A_175 : i32
      %mul3A_177 = arith.constant 2 : i32
      %mul3A_178 = arith.muli %squeeze3A_82, %mul3A_177 : i32
      %mul3A_179 = arith.constant 2 : i32
      %mul3A_180 = arith.muli %squeeze3A_84, %mul3A_179 : i32
      %mul3A_181 = arith.constant 2 : i32
      %mul3A_182 = arith.muli %squeeze3A_86, %mul3A_181 : i32
      %mul3A_183 = arith.constant 2 : i32
      %mul3A_184 = arith.muli %squeeze3A_88, %mul3A_183 : i32
      %mul3A_185 = arith.constant 2 : i32
      %mul3A_186 = arith.muli %squeeze3A_90, %mul3A_185 : i32
      %mul3A_187 = arith.constant 2 : i32
      %mul3A_188 = arith.muli %squeeze3A_92, %mul3A_187 : i32
      %mul3A_189 = arith.constant 2 : i32
      %mul3A_190 = arith.muli %squeeze3A_94, %mul3A_189 : i32
      %mul3A_191 = arith.constant 2 : i32
      %mul3A_192 = arith.muli %squeeze3A_96, %mul3A_191 : i32
      %mul3A_193 = arith.constant 2 : i32
      %mul3A_194 = arith.muli %squeeze3A_98, %mul3A_193 : i32
      %mul3A_195 = arith.constant 2 : i32
      %mul3A_196 = arith.muli %squeeze3A_100, %mul3A_195 : i32
      %mul3A_197 = arith.constant 2 : i32
      %mul3A_198 = arith.muli %squeeze3A_102, %mul3A_197 : i32
      %mul3A_199 = arith.constant 2 : i32
      %mul3A_200 = arith.muli %squeeze3A_104, %mul3A_199 : i32
      %mul3A_201 = arith.constant 2 : i32
      %mul3A_202 = arith.muli %squeeze3A_106, %mul3A_201 : i32
      %mul3A_203 = arith.constant 2 : i32
      %mul3A_204 = arith.muli %squeeze3A_108, %mul3A_203 : i32
      %mul3A_205 = arith.constant 2 : i32
      %mul3A_206 = arith.muli %squeeze3A_110, %mul3A_205 : i32
      %mul3A_207 = arith.constant 2 : i32
      %mul3A_208 = arith.muli %squeeze3A_112, %mul3A_207 : i32
      %mul3A_209 = arith.constant 2 : i32
      %mul3A_210 = arith.muli %squeeze3A_114, %mul3A_209 : i32
      %mul3A_211 = arith.constant 2 : i32
      %mul3A_212 = arith.muli %squeeze3A_116, %mul3A_211 : i32
      %mul3A_213 = arith.constant 2 : i32
      %mul3A_214 = arith.muli %squeeze3A_118, %mul3A_213 : i32
      %mul3A_215 = arith.constant 2 : i32
      %mul3A_216 = arith.muli %squeeze3A_120, %mul3A_215 : i32
      %get3A_217 = arith.index_cast %mul3A_124 : i32 to index
      %get3A_218 = arith.constant 0 : index
      %get3A_219 = tpu.vector_load %arg5[%get3A_217, %get3A_218] {strides = array<i32>} : memref<256x64xbf16, #tpu.memory_space<vmem>>, vector<2x16xbf16>,
      %get3A_220 = vector.shape_cast %get3A_219 : vector<2x16xbf16> to vector<2x16xbf16>
      %get3A_221 = arith.index_cast %mul3A_132 : i32 to index
      %get3A_222 = arith.constant 0 : index
      %get3A_223 = tpu.vector_load %arg5[%get3A_221, %get3A_222] {strides = array<i32>} : memref<256x64xbf16, #tpu.memory_space<vmem>>, vector<2x16xbf16>,
      %get3A_224 = vector.shape_cast %get3A_223 : vector<2x16xbf16> to vector<2x16xbf16>
      %max3A = arith.maximumf %get3A_220, %get3A_224 : vector<2x16xbf16>
      %get3A_225 = arith.index_cast %mul3A_140 : i32 to index
      %get3A_226 = arith.constant 0 : index
      %get3A_227 = tpu.vector_load %arg5[%get3A_225, %get3A_226] {strides = array<i32>} : memref<256x64xbf16, #tpu.memory_space<vmem>>, vector<2x16xbf16>,
      %get3A_228 = vector.shape_cast %get3A_227 : vector<2x16xbf16> to vector<2x16xbf16>
      %max3A_229 = arith.maximumf %max3A, %get3A_228 : vector<2x16xbf16>
      %get3A_230 = arith.index_cast %mul3A_148 : i32 to index
      %get3A_231 = arith.constant 0 : index
      %get3A_232 = tpu.vector_load %arg5[%get3A_230, %get3A_231] {strides = array<i32>} : memref<256x64xbf16, #tpu.memory_space<vmem>>, vector<2x16xbf16>,
      %get3A_233 = vector.shape_cast %get3A_232 : vector<2x16xbf16> to vector<2x16xbf16>
      %max3A_234 = arith.maximumf %max3A_229, %get3A_233 : vector<2x16xbf16>
      %get3A_235 = arith.index_cast %mul3A_156 : i32 to index
      %get3A_236 = arith.constant 0 : index
      %get3A_237 = tpu.vector_load %arg5[%get3A_235, %get3A_236] {strides = array<i32>} : memref<256x64xbf16, #tpu.memory_space<vmem>>, vector<2x16xbf16>,
      %get3A_238 = vector.shape_cast %get3A_237 : vector<2x16xbf16> to vector<2x16xbf16>
      %max3A_239 = arith.maximumf %max3A_234, %get3A_238 : vector<2x16xbf16>
      %get3A_240 = arith.index_cast %mul3A_164 : i32 to index
      %get3A_241 = arith.constant 0 : index
      %get3A_242 = tpu.vector_load %arg5[%get3A_240, %get3A_241] {strides = array<i32>} : memref<256x64xbf16, #tpu.memory_space<vmem>>, vector<2x16xbf16>,
      %get3A_243 = vector.shape_cast %get3A_242 : vector<2x16xbf16> to vector<2x16xbf16>
      %max3A_244 = arith.maximumf %max3A_239, %get3A_243 : vector<2x16xbf16>
      %get3A_245 = arith.index_cast %mul3A_172 : i32 to index
      %get3A_246 = arith.constant 0 : index
      %get3A_247 = tpu.vector_load %arg5[%get3A_245, %get3A_246] {strides = array<i32>} : memref<256x64xbf16, #tpu.memory_space<vmem>>, vector<2x16xbf16>,
      %get3A_248 = vector.shape_cast %get3A_247 : vector<2x16xbf16> to vector<2x16xbf16>
      %max3A_249 = arith.maximumf %max3A_244, %get3A_248 : vector<2x16xbf16>
      %get3A_250 = arith.index_cast %mul3A_180 : i32 to index
      %get3A_251 = arith.constant 0 : index
      %get3A_252 = tpu.vector_load %arg5[%get3A_250, %get3A_251] {strides = array<i32>} : memref<256x64xbf16, #tpu.memory_space<vmem>>, vector<2x16xbf16>,
      %get3A_253 = vector.shape_cast %get3A_252 : vector<2x16xbf16> to vector<2x16xbf16>
      %max3A_254 = arith.maximumf %max3A_249, %get3A_253 : vector<2x16xbf16>
      %get3A_255 = arith.index_cast %mul3A_188 : i32 to index
      %get3A_256 = arith.constant 0 : index
      %get3A_257 = tpu.vector_load %arg5[%get3A_255, %get3A_256] {strides = array<i32>} : memref<256x64xbf16, #tpu.memory_space<vmem>>, vector<2x16xbf16>,
      %get3A_258 = vector.shape_cast %get3A_257 : vector<2x16xbf16> to vector<2x16xbf16>
      %max3A_259 = arith.maximumf %max3A_254, %get3A_258 : vector<2x16xbf16>
      %get3A_260 = arith.index_cast %mul3A_196 : i32 to index
      %get3A_261 = arith.constant 0 : index
      %get3A_262 = tpu.vector_load %arg5[%get3A_260, %get3A_261] {strides = array<i32>} : memref<256x64xbf16, #tpu.memory_space<vmem>>, vector<2x16xbf16>,
      %get3A_263 = vector.shape_cast %get3A_262 : vector<2x16xbf16> to vector<2x16xbf16>
      %max3A_264 = arith.maximumf %max3A_259, %get3A_263 : vector<2x16xbf16>
      %get3A_265 = arith.index_cast %mul3A_204 : i32 to index
      %get3A_266 = arith.constant 0 : index
      %get3A_267 = tpu.vector_load %arg5[%get3A_265, %get3A_266] {strides = array<i32>} : memref<256x64xbf16, #tpu.memory_space<vmem>>, vector<2x16xbf16>,
      %get3A_268 = vector.shape_cast %get3A_267 : vector<2x16xbf16> to vector<2x16xbf16>
      %max3A_269 = arith.maximumf %max3A_264, %get3A_268 : vector<2x16xbf16>
      %get3A_270 = arith.index_cast %mul3A_212 : i32 to index
      %get3A_271 = arith.constant 0 : index
      %get3A_272 = tpu.vector_load %arg5[%get3A_270, %get3A_271] {strides = array<i32>} : memref<256x64xbf16, #tpu.memory_space<vmem>>, vector<2x16xbf16>,
      %get3A_273 = vector.shape_cast %get3A_272 : vector<2x16xbf16> to vector<2x16xbf16>
      %max3A_274 = arith.maximumf %max3A_269, %get3A_273 : vector<2x16xbf16>
      %get3A_275 = arith.index_cast %mul3A_126 : i32 to index
      %get3A_276 = arith.constant 0 : index
      %get3A_277 = tpu.vector_load %arg5[%get3A_275, %get3A_276] {strides = array<i32>} : memref<256x64xbf16, #tpu.memory_space<vmem>>, vector<2x16xbf16>,
      %get3A_278 = vector.shape_cast %get3A_277 : vector<2x16xbf16> to vector<2x16xbf16>
      %get3A_279 = arith.index_cast %mul3A_134 : i32 to index
      %get3A_280 = arith.constant 0 : index
      %get3A_281 = tpu.vector_load %arg5[%get3A_279, %get3A_280] {strides = array<i32>} : memref<256x64xbf16, #tpu.memory_space<vmem>>, vector<2x16xbf16>,
      %get3A_282 = vector.shape_cast %get3A_281 : vector<2x16xbf16> to vector<2x16xbf16>
      %max3A_283 = arith.maximumf %get3A_278, %get3A_282 : vector<2x16xbf16>
      %get3A_284 = arith.index_cast %mul3A_142 : i32 to index
      %get3A_285 = arith.constant 0 : index
      %get3A_286 = tpu.vector_load %arg5[%get3A_284, %get3A_285] {strides = array<i32>} : memref<256x64xbf16, #tpu.memory_space<vmem>>, vector<2x16xbf16>,
      %get3A_287 = vector.shape_cast %get3A_286 : vector<2x16xbf16> to vector<2x16xbf16>
      %max3A_288 = arith.maximumf %max3A_283, %get3A_287 : vector<2x16xbf16>
      %get3A_289 = arith.index_cast %mul3A_150 : i32 to index
      %get3A_290 = arith.constant 0 : index
      %get3A_291 = tpu.vector_load %arg5[%get3A_289, %get3A_290] {strides = array<i32>} : memref<256x64xbf16, #tpu.memory_space<vmem>>, vector<2x16xbf16>,
      %get3A_292 = vector.shape_cast %get3A_291 : vector<2x16xbf16> to vector<2x16xbf16>
      %max3A_293 = arith.maximumf %max3A_288, %get3A_292 : vector<2x16xbf16>
      %get3A_294 = arith.index_cast %mul3A_158 : i32 to index
      %get3A_295 = arith.constant 0 : index
      %get3A_296 = tpu.vector_load %arg5[%get3A_294, %get3A_295] {strides = array<i32>} : memref<256x64xbf16, #tpu.memory_space<vmem>>, vector<2x16xbf16>,
      %get3A_297 = vector.shape_cast %get3A_296 : vector<2x16xbf16> to vector<2x16xbf16>
      %max3A_298 = arith.maximumf %max3A_293, %get3A_297 : vector<2x16xbf16>
      %get3A_299 = arith.index_cast %mul3A_166 : i32 to index
      %get3A_300 = arith.constant 0 : index
      %get3A_301 = tpu.vector_load %arg5[%get3A_299, %get3A_300] {strides = array<i32>} : memref<256x64xbf16, #tpu.memory_space<vmem>>, vector<2x16xbf16>,
      %get3A_302 = vector.shape_cast %get3A_301 : vector<2x16xbf16> to vector<2x16xbf16>
      %max3A_303 = arith.maximumf %max3A_298, %get3A_302 : vector<2x16xbf16>
      %get3A_304 = arith.index_cast %mul3A_174 : i32 to index
      %get3A_305 = arith.constant 0 : index
      %get3A_306 = tpu.vector_load %arg5[%get3A_304, %get3A_305] {strides = array<i32>} : memref<256x64xbf16, #tpu.memory_space<vmem>>, vector<2x16xbf16>,
      %get3A_307 = vector.shape_cast %get3A_306 : vector<2x16xbf16> to vector<2x16xbf16>
      %max3A_308 = arith.maximumf %max3A_303, %get3A_307 : vector<2x16xbf16>
      %get3A_309 = arith.index_cast %mul3A_182 : i32 to index
      %get3A_310 = arith.constant 0 : index
      %get3A_311 = tpu.vector_load %arg5[%get3A_309, %get3A_310] {strides = array<i32>} : memref<256x64xbf16, #tpu.memory_space<vmem>>, vector<2x16xbf16>,
      %get3A_312 = vector.shape_cast %get3A_311 : vector<2x16xbf16> to vector<2x16xbf16>
      %max3A_313 = arith.maximumf %max3A_308, %get3A_312 : vector<2x16xbf16>
      %get3A_314 = arith.index_cast %mul3A_190 : i32 to index
      %get3A_315 = arith.constant 0 : index
      %get3A_316 = tpu.vector_load %arg5[%get3A_314, %get3A_315] {strides = array<i32>} : memref<256x64xbf16, #tpu.memory_space<vmem>>, vector<2x16xbf16>,
      %get3A_317 = vector.shape_cast %get3A_316 : vector<2x16xbf16> to vector<2x16xbf16>
      %max3A_318 = arith.maximumf %max3A_313, %get3A_317 : vector<2x16xbf16>
      %get3A_319 = arith.index_cast %mul3A_198 : i32 to index
      %get3A_320 = arith.constant 0 : index
      %get3A_321 = tpu.vector_load %arg5[%get3A_319, %get3A_320] {strides = array<i32>} : memref<256x64xbf16, #tpu.memory_space<vmem>>, vector<2x16xbf16>,
      %get3A_322 = vector.shape_cast %get3A_321 : vector<2x16xbf16> to vector<2x16xbf16>
      %max3A_323 = arith.maximumf %max3A_318, %get3A_322 : vector<2x16xbf16>
      %get3A_324 = arith.index_cast %mul3A_206 : i32 to index
      %get3A_325 = arith.constant 0 : index
      %get3A_326 = tpu.vector_load %arg5[%get3A_324, %get3A_325] {strides = array<i32>} : memref<256x64xbf16, #tpu.memory_space<vmem>>, vector<2x16xbf16>,
      %get3A_327 = vector.shape_cast %get3A_326 : vector<2x16xbf16> to vector<2x16xbf16>
      %max3A_328 = arith.maximumf %max3A_323, %get3A_327 : vector<2x16xbf16>
      %get3A_329 = arith.index_cast %mul3A_214 : i32 to index
      %get3A_330 = arith.constant 0 : index
      %get3A_331 = tpu.vector_load %arg5[%get3A_329, %get3A_330] {strides = array<i32>} : memref<256x64xbf16, #tpu.memory_space<vmem>>, vector<2x16xbf16>,
      %get3A_332 = vector.shape_cast %get3A_331 : vector<2x16xbf16> to vector<2x16xbf16>
      %max3A_333 = arith.maximumf %max3A_328, %get3A_332 : vector<2x16xbf16>
      %get3A_334 = arith.index_cast %mul3A_128 : i32 to index
      %get3A_335 = arith.constant 0 : index
      %get3A_336 = tpu.vector_load %arg5[%get3A_334, %get3A_335] {strides = array<i32>} : memref<256x64xbf16, #tpu.memory_space<vmem>>, vector<2x16xbf16>,
      %get3A_337 = vector.shape_cast %get3A_336 : vector<2x16xbf16> to vector<2x16xbf16>
      %get3A_338 = arith.index_cast %mul3A_136 : i32 to index
      %get3A_339 = arith.constant 0 : index
      %get3A_340 = tpu.vector_load %arg5[%get3A_338, %get3A_339] {strides = array<i32>} : memref<256x64xbf16, #tpu.memory_space<vmem>>, vector<2x16xbf16>,
      %get3A_341 = vector.shape_cast %get3A_340 : vector<2x16xbf16> to vector<2x16xbf16>
      %max3A_342 = arith.maximumf %get3A_337, %get3A_341 : vector<2x16xbf16>
      %get3A_343 = arith.index_cast %mul3A_144 : i32 to index
      %get3A_344 = arith.constant 0 : index
      %get3A_345 = tpu.vector_load %arg5[%get3A_343, %get3A_344] {strides = array<i32>} : memref<256x64xbf16, #tpu.memory_space<vmem>>, vector<2x16xbf16>,
      %get3A_346 = vector.shape_cast %get3A_345 : vector<2x16xbf16> to vector<2x16xbf16>
      %max3A_347 = arith.maximumf %max3A_342, %get3A_346 : vector<2x16xbf16>
      %get3A_348 = arith.index_cast %mul3A_152 : i32 to index
      %get3A_349 = arith.constant 0 : index
      %get3A_350 = tpu.vector_load %arg5[%get3A_348, %get3A_349] {strides = array<i32>} : memref<256x64xbf16, #tpu.memory_space<vmem>>, vector<2x16xbf16>,
      %get3A_351 = vector.shape_cast %get3A_350 : vector<2x16xbf16> to vector<2x16xbf16>
      %max3A_352 = arith.maximumf %max3A_347, %get3A_351 : vector<2x16xbf16>
      %get3A_353 = arith.index_cast %mul3A_160 : i32 to index
      %get3A_354 = arith.constant 0 : index
      %get3A_355 = tpu.vector_load %arg5[%get3A_353, %get3A_354] {strides = array<i32>} : memref<256x64xbf16, #tpu.memory_space<vmem>>, vector<2x16xbf16>,
      %get3A_356 = vector.shape_cast %get3A_355 : vector<2x16xbf16> to vector<2x16xbf16>
      %max3A_357 = arith.maximumf %max3A_352, %get3A_356 : vector<2x16xbf16>
      %get3A_358 = arith.index_cast %mul3A_168 : i32 to index
      %get3A_359 = arith.constant 0 : index
      %get3A_360 = tpu.vector_load %arg5[%get3A_358, %get3A_359] {strides = array<i32>} : memref<256x64xbf16, #tpu.memory_space<vmem>>, vector<2x16xbf16>,
      %get3A_361 = vector.shape_cast %get3A_360 : vector<2x16xbf16> to vector<2x16xbf16>
      %max3A_362 = arith.maximumf %max3A_357, %get3A_361 : vector<2x16xbf16>
      %get3A_363 = arith.index_cast %mul3A_176 : i32 to index
      %get3A_364 = arith.constant 0 : index
      %get3A_365 = tpu.vector_load %arg5[%get3A_363, %get3A_364] {strides = array<i32>} : memref<256x64xbf16, #tpu.memory_space<vmem>>, vector<2x16xbf16>,
      %get3A_366 = vector.shape_cast %get3A_365 : vector<2x16xbf16> to vector<2x16xbf16>
      %max3A_367 = arith.maximumf %max3A_362, %get3A_366 : vector<2x16xbf16>
      %get3A_368 = arith.index_cast %mul3A_184 : i32 to index
      %get3A_369 = arith.constant 0 : index
      %get3A_370 = tpu.vector_load %arg5[%get3A_368, %get3A_369] {strides = array<i32>} : memref<256x64xbf16, #tpu.memory_space<vmem>>, vector<2x16xbf16>,
      %get3A_371 = vector.shape_cast %get3A_370 : vector<2x16xbf16> to vector<2x16xbf16>
      %max3A_372 = arith.maximumf %max3A_367, %get3A_371 : vector<2x16xbf16>
      %get3A_373 = arith.index_cast %mul3A_192 : i32 to index
      %get3A_374 = arith.constant 0 : index
      %get3A_375 = tpu.vector_load %arg5[%get3A_373, %get3A_374] {strides = array<i32>} : memref<256x64xbf16, #tpu.memory_space<vmem>>, vector<2x16xbf16>,
      %get3A_376 = vector.shape_cast %get3A_375 : vector<2x16xbf16> to vector<2x16xbf16>
      %max3A_377 = arith.maximumf %max3A_372, %get3A_376 : vector<2x16xbf16>
      %get3A_378 = arith.index_cast %mul3A_200 : i32 to index
      %get3A_379 = arith.constant 0 : index
      %get3A_380 = tpu.vector_load %arg5[%get3A_378, %get3A_379] {strides = array<i32>} : memref<256x64xbf16, #tpu.memory_space<vmem>>, vector<2x16xbf16>,
      %get3A_381 = vector.shape_cast %get3A_380 : vector<2x16xbf16> to vector<2x16xbf16>
      %max3A_382 = arith.maximumf %max3A_377, %get3A_381 : vector<2x16xbf16>
      %get3A_383 = arith.index_cast %mul3A_208 : i32 to index
      %get3A_384 = arith.constant 0 : index
      %get3A_385 = tpu.vector_load %arg5[%get3A_383, %get3A_384] {strides = array<i32>} : memref<256x64xbf16, #tpu.memory_space<vmem>>, vector<2x16xbf16>,
      %get3A_386 = vector.shape_cast %get3A_385 : vector<2x16xbf16> to vector<2x16xbf16>
      %max3A_387 = arith.maximumf %max3A_382, %get3A_386 : vector<2x16xbf16>
      %get3A_388 = arith.index_cast %mul3A_216 : i32 to index
      %get3A_389 = arith.constant 0 : index
      %get3A_390 = tpu.vector_load %arg5[%get3A_388, %get3A_389] {strides = array<i32>} : memref<256x64xbf16, #tpu.memory_space<vmem>>, vector<2x16xbf16>,
      %get3A_391 = vector.shape_cast %get3A_390 : vector<2x16xbf16> to vector<2x16xbf16>
      %max3A_392 = arith.maximumf %max3A_387, %get3A_391 : vector<2x16xbf16>
      %get3A_393 = arith.index_cast %mul3A_130 : i32 to index
      %get3A_394 = arith.constant 0 : index
      %get3A_395 = tpu.vector_load %arg5[%get3A_393, %get3A_394] {strides = array<i32>} : memref<256x64xbf16, #tpu.memory_space<vmem>>, vector<2x16xbf16>,
      %get3A_396 = vector.shape_cast %get3A_395 : vector<2x16xbf16> to vector<2x16xbf16>
      %get3A_397 = arith.index_cast %mul3A_138 : i32 to index
      %get3A_398 = arith.constant 0 : index
      %get3A_399 = tpu.vector_load %arg5[%get3A_397, %get3A_398] {strides = array<i32>} : memref<256x64xbf16, #tpu.memory_space<vmem>>, vector<2x16xbf16>,
      %get3A_400 = vector.shape_cast %get3A_399 : vector<2x16xbf16> to vector<2x16xbf16>
      %max3A_401 = arith.maximumf %get3A_396, %get3A_400 : vector<2x16xbf16>
      %get3A_402 = arith.index_cast %mul3A_146 : i32 to index
      %get3A_403 = arith.constant 0 : index
      %get3A_404 = tpu.vector_load %arg5[%get3A_402, %get3A_403] {strides = array<i32>} : memref<256x64xbf16, #tpu.memory_space<vmem>>, vector<2x16xbf16>,
      %get3A_405 = vector.shape_cast %get3A_404 : vector<2x16xbf16> to vector<2x16xbf16>
      %max3A_406 = arith.maximumf %max3A_401, %get3A_405 : vector<2x16xbf16>
      %get3A_407 = arith.index_cast %mul3A_154 : i32 to index
      %get3A_408 = arith.constant 0 : index
      %get3A_409 = tpu.vector_load %arg5[%get3A_407, %get3A_408] {strides = array<i32>} : memref<256x64xbf16, #tpu.memory_space<vmem>>, vector<2x16xbf16>,
      %get3A_410 = vector.shape_cast %get3A_409 : vector<2x16xbf16> to vector<2x16xbf16>
      %max3A_411 = arith.maximumf %max3A_406, %get3A_410 : vector<2x16xbf16>
      %get3A_412 = arith.index_cast %mul3A_162 : i32 to index
      %get3A_413 = arith.constant 0 : index
      %get3A_414 = tpu.vector_load %arg5[%get3A_412, %get3A_413] {strides = array<i32>} : memref<256x64xbf16, #tpu.memory_space<vmem>>, vector<2x16xbf16>,
      %get3A_415 = vector.shape_cast %get3A_414 : vector<2x16xbf16> to vector<2x16xbf16>
      %max3A_416 = arith.maximumf %max3A_411, %get3A_415 : vector<2x16xbf16>
      %get3A_417 = arith.index_cast %mul3A_170 : i32 to index
      %get3A_418 = arith.constant 0 : index
      %get3A_419 = tpu.vector_load %arg5[%get3A_417, %get3A_418] {strides = array<i32>} : memref<256x64xbf16, #tpu.memory_space<vmem>>, vector<2x16xbf16>,
      %get3A_420 = vector.shape_cast %get3A_419 : vector<2x16xbf16> to vector<2x16xbf16>
      %max3A_421 = arith.maximumf %max3A_416, %get3A_420 : vector<2x16xbf16>
      %get3A_422 = arith.index_cast %mul3A_178 : i32 to index
      %get3A_423 = arith.constant 0 : index
      %get3A_424 = tpu.vector_load %arg5[%get3A_422, %get3A_423] {strides = array<i32>} : memref<256x64xbf16, #tpu.memory_space<vmem>>, vector<2x16xbf16>,
      %get3A_425 = vector.shape_cast %get3A_424 : vector<2x16xbf16> to vector<2x16xbf16>
      %max3A_426 = arith.maximumf %max3A_421, %get3A_425 : vector<2x16xbf16>
      %get3A_427 = arith.index_cast %mul3A_186 : i32 to index
      %get3A_428 = arith.constant 0 : index
      %get3A_429 = tpu.vector_load %arg5[%get3A_427, %get3A_428] {strides = array<i32>} : memref<256x64xbf16, #tpu.memory_space<vmem>>, vector<2x16xbf16>,
      %get3A_430 = vector.shape_cast %get3A_429 : vector<2x16xbf16> to vector<2x16xbf16>
      %max3A_431 = arith.maximumf %max3A_426, %get3A_430 : vector<2x16xbf16>
      %get3A_432 = arith.index_cast %mul3A_194 : i32 to index
      %get3A_433 = arith.constant 0 : index
      %get3A_434 = tpu.vector_load %arg5[%get3A_432, %get3A_433] {strides = array<i32>} : memref<256x64xbf16, #tpu.memory_space<vmem>>, vector<2x16xbf16>,
      %get3A_435 = vector.shape_cast %get3A_434 : vector<2x16xbf16> to vector<2x16xbf16>
      %max3A_436 = arith.maximumf %max3A_431, %get3A_435 : vector<2x16xbf16>
      %get3A_437 = arith.index_cast %mul3A_202 : i32 to index
      %get3A_438 = arith.constant 0 : index
      %get3A_439 = tpu.vector_load %arg5[%get3A_437, %get3A_438] {strides = array<i32>} : memref<256x64xbf16, #tpu.memory_space<vmem>>, vector<2x16xbf16>,
      %get3A_440 = vector.shape_cast %get3A_439 : vector<2x16xbf16> to vector<2x16xbf16>
      %max3A_441 = arith.maximumf %max3A_436, %get3A_440 : vector<2x16xbf16>
      %get3A_442 = arith.index_cast %mul3A_210 : i32 to index
      %get3A_443 = arith.constant 0 : index
      %get3A_444 = tpu.vector_load %arg5[%get3A_442, %get3A_443] {strides = array<i32>} : memref<256x64xbf16, #tpu.memory_space<vmem>>, vector<2x16xbf16>,
      %get3A_445 = vector.shape_cast %get3A_444 : vector<2x16xbf16> to vector<2x16xbf16>
      %max3A_446 = arith.maximumf %max3A_441, %get3A_445 : vector<2x16xbf16>
      %max3A_447 = arith.maximumf %max3A_274, %max3A_333 : vector<2x16xbf16>
      %max3A_448 = arith.maximumf %max3A_392, %max3A_446 : vector<2x16xbf16>
      %max3A_449 = arith.maximumf %max3A_447, %max3A_448 : vector<2x16xbf16>
      %mul3A_450 = arith.constant 2 : i32
      %mul3A_451 = arith.muli %scan3A_12, %mul3A_450 : i32
      %swap3A = arith.index_cast %mul3A_451 : i32 to index
      %swap3A_452 = arith.constant 0 : index
      %swap3A_453 = tpu.vector_load %arg7[%swap3A, %swap3A_452] {strides = array<i32>} : memref<704x64xbf16, #tpu.memory_space<vmem>>, vector<2x16xbf16>,
      %swap3A_454 = vector.shape_cast %swap3A_453 : vector<2x16xbf16> to vector<2x16xbf16>
      %swap3A_455 = vector.shape_cast %max3A_449 : vector<2x16xbf16> to vector<2x16xbf16>
      tpu.vector_store %arg7[%swap3A, %swap3A_452], %swap3A_455 {strides = array<i32>} : memref<704x64xbf16, #tpu.memory_space<vmem>>, vector<2x16xbf16>,
      %get3A_456 = arith.index_cast %mul3A_124 : i32 to index
      %get3A_457 = arith.constant 16 : index
      %get3A_458 = tpu.vector_load %arg5[%get3A_456, %get3A_457] {strides = array<i32>} : memref<256x64xbf16, #tpu.memory_space<vmem>>, vector<2x16xbf16>,
      %get3A_459 = vector.shape_cast %get3A_458 : vector<2x16xbf16> to vector<2x16xbf16>
      %get3A_460 = arith.index_cast %mul3A_132 : i32 to index
      %get3A_461 = arith.constant 16 : index
      %get3A_462 = tpu.vector_load %arg5[%get3A_460, %get3A_461] {strides = array<i32>} : memref<256x64xbf16, #tpu.memory_space<vmem>>, vector<2x16xbf16>,
      %get3A_463 = vector.shape_cast %get3A_462 : vector<2x16xbf16> to vector<2x16xbf16>
      %max3A_464 = arith.maximumf %get3A_459, %get3A_463 : vector<2x16xbf16>
      %get3A_465 = arith.index_cast %mul3A_140 : i32 to index
      %get3A_466 = arith.constant 16 : index
      %get3A_467 = tpu.vector_load %arg5[%get3A_465, %get3A_466] {strides = array<i32>} : memref<256x64xbf16, #tpu.memory_space<vmem>>, vector<2x16xbf16>,
      %get3A_468 = vector.shape_cast %get3A_467 : vector<2x16xbf16> to vector<2x16xbf16>
      %max3A_469 = arith.maximumf %max3A_464, %get3A_468 : vector<2x16xbf16>
      %get3A_470 = arith.index_cast %mul3A_148 : i32 to index
      %get3A_471 = arith.constant 16 : index
      %get3A_472 = tpu.vector_load %arg5[%get3A_470, %get3A_471] {strides = array<i32>} : memref<256x64xbf16, #tpu.memory_space<vmem>>, vector<2x16xbf16>,
      %get3A_473 = vector.shape_cast %get3A_472 : vector<2x16xbf16> to vector<2x16xbf16>
      %max3A_474 = arith.maximumf %max3A_469, %get3A_473 : vector<2x16xbf16>
      %get3A_475 = arith.index_cast %mul3A_156 : i32 to index
      %get3A_476 = arith.constant 16 : index
      %get3A_477 = tpu.vector_load %arg5[%get3A_475, %get3A_476] {strides = array<i32>} : memref<256x64xbf16, #tpu.memory_space<vmem>>, vector<2x16xbf16>,
      %get3A_478 = vector.shape_cast %get3A_477 : vector<2x16xbf16> to vector<2x16xbf16>
      %max3A_479 = arith.maximumf %max3A_474, %get3A_478 : vector<2x16xbf16>
      %get3A_480 = arith.index_cast %mul3A_164 : i32 to index
      %get3A_481 = arith.constant 16 : index
      %get3A_482 = tpu.vector_load %arg5[%get3A_480, %get3A_481] {strides = array<i32>} : memref<256x64xbf16, #tpu.memory_space<vmem>>, vector<2x16xbf16>,
      %get3A_483 = vector.shape_cast %get3A_482 : vector<2x16xbf16> to vector<2x16xbf16>
      %max3A_484 = arith.maximumf %max3A_479, %get3A_483 : vector<2x16xbf16>
      %get3A_485 = arith.index_cast %mul3A_172 : i32 to index
      %get3A_486 = arith.constant 16 : index
      %get3A_487 = tpu.vector_load %arg5[%get3A_485, %get3A_486] {strides = array<i32>} : memref<256x64xbf16, #tpu.memory_space<vmem>>, vector<2x16xbf16>,
      %get3A_488 = vector.shape_cast %get3A_487 : vector<2x16xbf16> to vector<2x16xbf16>
      %max3A_489 = arith.maximumf %max3A_484, %get3A_488 : vector<2x16xbf16>
      %get3A_490 = arith.index_cast %mul3A_180 : i32 to index
      %get3A_491 = arith.constant 16 : index
      %get3A_492 = tpu.vector_load %arg5[%get3A_490, %get3A_491] {strides = array<i32>} : memref<256x64xbf16, #tpu.memory_space<vmem>>, vector<2x16xbf16>,
      %get3A_493 = vector.shape_cast %get3A_492 : vector<2x16xbf16> to vector<2x16xbf16>
      %max3A_494 = arith.maximumf %max3A_489, %get3A_493 : vector<2x16xbf16>
      %get3A_495 = arith.index_cast %mul3A_188 : i32 to index
      %get3A_496 = arith.constant 16 : index
      %get3A_497 = tpu.vector_load %arg5[%get3A_495, %get3A_496] {strides = array<i32>} : memref<256x64xbf16, #tpu.memory_space<vmem>>, vector<2x16xbf16>,
      %get3A_498 = vector.shape_cast %get3A_497 : vector<2x16xbf16> to vector<2x16xbf16>
      %max3A_499 = arith.maximumf %max3A_494, %get3A_498 : vector<2x16xbf16>
      %get3A_500 = arith.index_cast %mul3A_196 : i32 to index
      %get3A_501 = arith.constant 16 : index
      %get3A_502 = tpu.vector_load %arg5[%get3A_500, %get3A_501] {strides = array<i32>} : memref<256x64xbf16, #tpu.memory_space<vmem>>, vector<2x16xbf16>,
      %get3A_503 = vector.shape_cast %get3A_502 : vector<2x16xbf16> to vector<2x16xbf16>
      %max3A_504 = arith.maximumf %max3A_499, %get3A_503 : vector<2x16xbf16>
      %get3A_505 = arith.index_cast %mul3A_204 : i32 to index
      %get3A_506 = arith.constant 16 : index
      %get3A_507 = tpu.vector_load %arg5[%get3A_505, %get3A_506] {strides = array<i32>} : memref<256x64xbf16, #tpu.memory_space<vmem>>, vector<2x16xbf16>,
      %get3A_508 = vector.shape_cast %get3A_507 : vector<2x16xbf16> to vector<2x16xbf16>
      %max3A_509 = arith.maximumf %max3A_504, %get3A_508 : vector<2x16xbf16>
      %get3A_510 = arith.index_cast %mul3A_212 : i32 to index
      %get3A_511 = arith.constant 16 : index
      %get3A_512 = tpu.vector_load %arg5[%get3A_510, %get3A_511] {strides = array<i32>} : memref<256x64xbf16, #tpu.memory_space<vmem>>, vector<2x16xbf16>,
      %get3A_513 = vector.shape_cast %get3A_512 : vector<2x16xbf16> to vector<2x16xbf16>
      %max3A_514 = arith.maximumf %max3A_509, %get3A_513 : vector<2x16xbf16>
      %get3A_515 = arith.index_cast %mul3A_126 : i32 to index
      %get3A_516 = arith.constant 16 : index
      %get3A_517 = tpu.vector_load %arg5[%get3A_515, %get3A_516] {strides = array<i32>} : memref<256x64xbf16, #tpu.memory_space<vmem>>, vector<2x16xbf16>,
      %get3A_518 = vector.shape_cast %get3A_517 : vector<2x16xbf16> to vector<2x16xbf16>
      %get3A_519 = arith.index_cast %mul3A_134 : i32 to index
      %get3A_520 = arith.constant 16 : index
      %get3A_521 = tpu.vector_load %arg5[%get3A_519, %get3A_520] {strides = array<i32>} : memref<256x64xbf16, #tpu.memory_space<vmem>>, vector<2x16xbf16>,
      %get3A_522 = vector.shape_cast %get3A_521 : vector<2x16xbf16> to vector<2x16xbf16>
      %max3A_523 = arith.maximumf %get3A_518, %get3A_522 : vector<2x16xbf16>
      %get3A_524 = arith.index_cast %mul3A_142 : i32 to index
      %get3A_525 = arith.constant 16 : index
      %get3A_526 = tpu.vector_load %arg5[%get3A_524, %get3A_525] {strides = array<i32>} : memref<256x64xbf16, #tpu.memory_space<vmem>>, vector<2x16xbf16>,
      %get3A_527 = vector.shape_cast %get3A_526 : vector<2x16xbf16> to vector<2x16xbf16>
      %max3A_528 = arith.maximumf %max3A_523, %get3A_527 : vector<2x16xbf16>
      %get3A_529 = arith.index_cast %mul3A_150 : i32 to index
      %get3A_530 = arith.constant 16 : index
      %get3A_531 = tpu.vector_load %arg5[%get3A_529, %get3A_530] {strides = array<i32>} : memref<256x64xbf16, #tpu.memory_space<vmem>>, vector<2x16xbf16>,
      %get3A_532 = vector.shape_cast %get3A_531 : vector<2x16xbf16> to vector<2x16xbf16>
      %max3A_533 = arith.maximumf %max3A_528, %get3A_532 : vector<2x16xbf16>
      %get3A_534 = arith.index_cast %mul3A_158 : i32 to index
      %get3A_535 = arith.constant 16 : index
      %get3A_536 = tpu.vector_load %arg5[%get3A_534, %get3A_535] {strides = array<i32>} : memref<256x64xbf16, #tpu.memory_space<vmem>>, vector<2x16xbf16>,
      %get3A_537 = vector.shape_cast %get3A_536 : vector<2x16xbf16> to vector<2x16xbf16>
      %max3A_538 = arith.maximumf %max3A_533, %get3A_537 : vector<2x16xbf16>
      %get3A_539 = arith.index_cast %mul3A_166 : i32 to index
      %get3A_540 = arith.constant 16 : index
      %get3A_541 = tpu.vector_load %arg5[%get3A_539, %get3A_540] {strides = array<i32>} : memref<256x64xbf16, #tpu.memory_space<vmem>>, vector<2x16xbf16>,
      %get3A_542 = vector.shape_cast %get3A_541 : vector<2x16xbf16> to vector<2x16xbf16>
      %max3A_543 = arith.maximumf %max3A_538, %get3A_542 : vector<2x16xbf16>
      %get3A_544 = arith.index_cast %mul3A_174 : i32 to index
      %get3A_545 = arith.constant 16 : index
      %get3A_546 = tpu.vector_load %arg5[%get3A_544, %get3A_545] {strides = array<i32>} : memref<256x64xbf16, #tpu.memory_space<vmem>>, vector<2x16xbf16>,
      %get3A_547 = vector.shape_cast %get3A_546 : vector<2x16xbf16> to vector<2x16xbf16>
      %max3A_548 = arith.maximumf %max3A_543, %get3A_547 : vector<2x16xbf16>
      %get3A_549 = arith.index_cast %mul3A_182 : i32 to index
      %get3A_550 = arith.constant 16 : index
      %get3A_551 = tpu.vector_load %arg5[%get3A_549, %get3A_550] {strides = array<i32>} : memref<256x64xbf16, #tpu.memory_space<vmem>>, vector<2x16xbf16>,
      %get3A_552 = vector.shape_cast %get3A_551 : vector<2x16xbf16> to vector<2x16xbf16>
      %max3A_553 = arith.maximumf %max3A_548, %get3A_552 : vector<2x16xbf16>
      %get3A_554 = arith.index_cast %mul3A_190 : i32 to index
      %get3A_555 = arith.constant 16 : index
      %get3A_556 = tpu.vector_load %arg5[%get3A_554, %get3A_555] {strides = array<i32>} : memref<256x64xbf16, #tpu.memory_space<vmem>>, vector<2x16xbf16>,
      %get3A_557 = vector.shape_cast %get3A_556 : vector<2x16xbf16> to vector<2x16xbf16>
      %max3A_558 = arith.maximumf %max3A_553, %get3A_557 : vector<2x16xbf16>
      %get3A_559 = arith.index_cast %mul3A_198 : i32 to index
      %get3A_560 = arith.constant 16 : index
      %get3A_561 = tpu.vector_load %arg5[%get3A_559, %get3A_560] {strides = array<i32>} : memref<256x64xbf16, #tpu.memory_space<vmem>>, vector<2x16xbf16>,
      %get3A_562 = vector.shape_cast %get3A_561 : vector<2x16xbf16> to vector<2x16xbf16>
      %max3A_563 = arith.maximumf %max3A_558, %get3A_562 : vector<2x16xbf16>
      %get3A_564 = arith.index_cast %mul3A_206 : i32 to index
      %get3A_565 = arith.constant 16 : index
      %get3A_566 = tpu.vector_load %arg5[%get3A_564, %get3A_565] {strides = array<i32>} : memref<256x64xbf16, #tpu.memory_space<vmem>>, vector<2x16xbf16>,
      %get3A_567 = vector.shape_cast %get3A_566 : vector<2x16xbf16> to vector<2x16xbf16>
      %max3A_568 = arith.maximumf %max3A_563, %get3A_567 : vector<2x16xbf16>
      %get3A_569 = arith.index_cast %mul3A_214 : i32 to index
      %get3A_570 = arith.constant 16 : index
      %get3A_571 = tpu.vector_load %arg5[%get3A_569, %get3A_570] {strides = array<i32>} : memref<256x64xbf16, #tpu.memory_space<vmem>>, vector<2x16xbf16>,
      %get3A_572 = vector.shape_cast %get3A_571 : vector<2x16xbf16> to vector<2x16xbf16>
      %max3A_573 = arith.maximumf %max3A_568, %get3A_572 : vector<2x16xbf16>
      %get3A_574 = arith.index_cast %mul3A_128 : i32 to index
      %get3A_575 = arith.constant 16 : index
      %get3A_576 = tpu.vector_load %arg5[%get3A_574, %get3A_575] {strides = array<i32>} : memref<256x64xbf16, #tpu.memory_space<vmem>>, vector<2x16xbf16>,
      %get3A_577 = vector.shape_cast %get3A_576 : vector<2x16xbf16> to vector<2x16xbf16>
      %get3A_578 = arith.index_cast %mul3A_136 : i32 to index
      %get3A_579 = arith.constant 16 : index
      %get3A_580 = tpu.vector_load %arg5[%get3A_578, %get3A_579] {strides = array<i32>} : memref<256x64xbf16, #tpu.memory_space<vmem>>, vector<2x16xbf16>,
      %get3A_581 = vector.shape_cast %get3A_580 : vector<2x16xbf16> to vector<2x16xbf16>
      %max3A_582 = arith.maximumf %get3A_577, %get3A_581 : vector<2x16xbf16>
      %get3A_583 = arith.index_cast %mul3A_144 : i32 to index
      %get3A_584 = arith.constant 16 : index
      %get3A_585 = tpu.vector_load %arg5[%get3A_583, %get3A_584] {strides = array<i32>} : memref<256x64xbf16, #tpu.memory_space<vmem>>, vector<2x16xbf16>,
      %get3A_586 = vector.shape_cast %get3A_585 : vector<2x16xbf16> to vector<2x16xbf16>
      %max3A_587 = arith.maximumf %max3A_582, %get3A_586 : vector<2x16xbf16>
      %get3A_588 = arith.index_cast %mul3A_152 : i32 to index
      %get3A_589 = arith.constant 16 : index
      %get3A_590 = tpu.vector_load %arg5[%get3A_588, %get3A_589] {strides = array<i32>} : memref<256x64xbf16, #tpu.memory_space<vmem>>, vector<2x16xbf16>,
      %get3A_591 = vector.shape_cast %get3A_590 : vector<2x16xbf16> to vector<2x16xbf16>
      %max3A_592 = arith.maximumf %max3A_587, %get3A_591 : vector<2x16xbf16>
      %get3A_593 = arith.index_cast %mul3A_160 : i32 to index
      %get3A_594 = arith.constant 16 : index
      %get3A_595 = tpu.vector_load %arg5[%get3A_593, %get3A_594] {strides = array<i32>} : memref<256x64xbf16, #tpu.memory_space<vmem>>, vector<2x16xbf16>,
      %get3A_596 = vector.shape_cast %get3A_595 : vector<2x16xbf16> to vector<2x16xbf16>
      %max3A_597 = arith.maximumf %max3A_592, %get3A_596 : vector<2x16xbf16>
      %get3A_598 = arith.index_cast %mul3A_168 : i32 to index
      %get3A_599 = arith.constant 16 : index
      %get3A_600 = tpu.vector_load %arg5[%get3A_598, %get3A_599] {strides = array<i32>} : memref<256x64xbf16, #tpu.memory_space<vmem>>, vector<2x16xbf16>,
      %get3A_601 = vector.shape_cast %get3A_600 : vector<2x16xbf16> to vector<2x16xbf16>
      %max3A_602 = arith.maximumf %max3A_597, %get3A_601 : vector<2x16xbf16>
      %get3A_603 = arith.index_cast %mul3A_176 : i32 to index
      %get3A_604 = arith.constant 16 : index
      %get3A_605 = tpu.vector_load %arg5[%get3A_603, %get3A_604] {strides = array<i32>} : memref<256x64xbf16, #tpu.memory_space<vmem>>, vector<2x16xbf16>,
      %get3A_606 = vector.shape_cast %get3A_605 : vector<2x16xbf16> to vector<2x16xbf16>
      %max3A_607 = arith.maximumf %max3A_602, %get3A_606 : vector<2x16xbf16>
      %get3A_608 = arith.index_cast %mul3A_184 : i32 to index
      %get3A_609 = arith.constant 16 : index
      %get3A_610 = tpu.vector_load %arg5[%get3A_608, %get3A_609] {strides = array<i32>} : memref<256x64xbf16, #tpu.memory_space<vmem>>, vector<2x16xbf16>,
      %get3A_611 = vector.shape_cast %get3A_610 : vector<2x16xbf16> to vector<2x16xbf16>
      %max3A_612 = arith.maximumf %max3A_607, %get3A_611 : vector<2x16xbf16>
      %get3A_613 = arith.index_cast %mul3A_192 : i32 to index
      %get3A_614 = arith.constant 16 : index
      %get3A_615 = tpu.vector_load %arg5[%get3A_613, %get3A_614] {strides = array<i32>} : memref<256x64xbf16, #tpu.memory_space<vmem>>, vector<2x16xbf16>,
      %get3A_616 = vector.shape_cast %get3A_615 : vector<2x16xbf16> to vector<2x16xbf16>
      %max3A_617 = arith.maximumf %max3A_612, %get3A_616 : vector<2x16xbf16>
      %get3A_618 = arith.index_cast %mul3A_200 : i32 to index
      %get3A_619 = arith.constant 16 : index
      %get3A_620 = tpu.vector_load %arg5[%get3A_618, %get3A_619] {strides = array<i32>} : memref<256x64xbf16, #tpu.memory_space<vmem>>, vector<2x16xbf16>,
      %get3A_621 = vector.shape_cast %get3A_620 : vector<2x16xbf16> to vector<2x16xbf16>
      %max3A_622 = arith.maximumf %max3A_617, %get3A_621 : vector<2x16xbf16>
      %get3A_623 = arith.index_cast %mul3A_208 : i32 to index
      %get3A_624 = arith.constant 16 : index
      %get3A_625 = tpu.vector_load %arg5[%get3A_623, %get3A_624] {strides = array<i32>} : memref<256x64xbf16, #tpu.memory_space<vmem>>, vector<2x16xbf16>,
      %get3A_626 = vector.shape_cast %get3A_625 : vector<2x16xbf16> to vector<2x16xbf16>
      %max3A_627 = arith.maximumf %max3A_622, %get3A_626 : vector<2x16xbf16>
      %get3A_628 = arith.index_cast %mul3A_216 : i32 to index
      %get3A_629 = arith.constant 16 : index
      %get3A_630 = tpu.vector_load %arg5[%get3A_628, %get3A_629] {strides = array<i32>} : memref<256x64xbf16, #tpu.memory_space<vmem>>, vector<2x16xbf16>,
      %get3A_631 = vector.shape_cast %get3A_630 : vector<2x16xbf16> to vector<2x16xbf16>
      %max3A_632 = arith.maximumf %max3A_627, %get3A_631 : vector<2x16xbf16>
      %get3A_633 = arith.index_cast %mul3A_130 : i32 to index
      %get3A_634 = arith.constant 16 : index
      %get3A_635 = tpu.vector_load %arg5[%get3A_633, %get3A_634] {strides = array<i32>} : memref<256x64xbf16, #tpu.memory_space<vmem>>, vector<2x16xbf16>,
      %get3A_636 = vector.shape_cast %get3A_635 : vector<2x16xbf16> to vector<2x16xbf16>
      %get3A_637 = arith.index_cast %mul3A_138 : i32 to index
      %get3A_638 = arith.constant 16 : index
      %get3A_639 = tpu.vector_load %arg5[%get3A_637, %get3A_638] {strides = array<i32>} : memref<256x64xbf16, #tpu.memory_space<vmem>>, vector<2x16xbf16>,
      %get3A_640 = vector.shape_cast %get3A_639 : vector<2x16xbf16> to vector<2x16xbf16>
      %max3A_641 = arith.maximumf %get3A_636, %get3A_640 : vector<2x16xbf16>
      %get3A_642 = arith.index_cast %mul3A_146 : i32 to index
      %get3A_643 = arith.constant 16 : index
      %get3A_644 = tpu.vector_load %arg5[%get3A_642, %get3A_643] {strides = array<i32>} : memref<256x64xbf16, #tpu.memory_space<vmem>>, vector<2x16xbf16>,
      %get3A_645 = vector.shape_cast %get3A_644 : vector<2x16xbf16> to vector<2x16xbf16>
      %max3A_646 = arith.maximumf %max3A_641, %get3A_645 : vector<2x16xbf16>
      %get3A_647 = arith.index_cast %mul3A_154 : i32 to index
      %get3A_648 = arith.constant 16 : index
      %get3A_649 = tpu.vector_load %arg5[%get3A_647, %get3A_648] {strides = array<i32>} : memref<256x64xbf16, #tpu.memory_space<vmem>>, vector<2x16xbf16>,
      %get3A_650 = vector.shape_cast %get3A_649 : vector<2x16xbf16> to vector<2x16xbf16>
      %max3A_651 = arith.maximumf %max3A_646, %get3A_650 : vector<2x16xbf16>
      %get3A_652 = arith.index_cast %mul3A_162 : i32 to index
      %get3A_653 = arith.constant 16 : index
      %get3A_654 = tpu.vector_load %arg5[%get3A_652, %get3A_653] {strides = array<i32>} : memref<256x64xbf16, #tpu.memory_space<vmem>>, vector<2x16xbf16>,
      %get3A_655 = vector.shape_cast %get3A_654 : vector<2x16xbf16> to vector<2x16xbf16>
      %max3A_656 = arith.maximumf %max3A_651, %get3A_655 : vector<2x16xbf16>
      %get3A_657 = arith.index_cast %mul3A_170 : i32 to index
      %get3A_658 = arith.constant 16 : index
      %get3A_659 = tpu.vector_load %arg5[%get3A_657, %get3A_658] {strides = array<i32>} : memref<256x64xbf16, #tpu.memory_space<vmem>>, vector<2x16xbf16>,
      %get3A_660 = vector.shape_cast %get3A_659 : vector<2x16xbf16> to vector<2x16xbf16>
      %max3A_661 = arith.maximumf %max3A_656, %get3A_660 : vector<2x16xbf16>
      %get3A_662 = arith.index_cast %mul3A_178 : i32 to index
      %get3A_663 = arith.constant 16 : index
      %get3A_664 = tpu.vector_load %arg5[%get3A_662, %get3A_663] {strides = array<i32>} : memref<256x64xbf16, #tpu.memory_space<vmem>>, vector<2x16xbf16>,
      %get3A_665 = vector.shape_cast %get3A_664 : vector<2x16xbf16> to vector<2x16xbf16>
      %max3A_666 = arith.maximumf %max3A_661, %get3A_665 : vector<2x16xbf16>
      %get3A_667 = arith.index_cast %mul3A_186 : i32 to index
      %get3A_668 = arith.constant 16 : index
      %get3A_669 = tpu.vector_load %arg5[%get3A_667, %get3A_668] {strides = array<i32>} : memref<256x64xbf16, #tpu.memory_space<vmem>>, vector<2x16xbf16>,
      %get3A_670 = vector.shape_cast %get3A_669 : vector<2x16xbf16> to vector<2x16xbf16>
      %max3A_671 = arith.maximumf %max3A_666, %get3A_670 : vector<2x16xbf16>
      %get3A_672 = arith.index_cast %mul3A_194 : i32 to index
      %get3A_673 = arith.constant 16 : index
      %get3A_674 = tpu.vector_load %arg5[%get3A_672, %get3A_673] {strides = array<i32>} : memref<256x64xbf16, #tpu.memory_space<vmem>>, vector<2x16xbf16>,
      %get3A_675 = vector.shape_cast %get3A_674 : vector<2x16xbf16> to vector<2x16xbf16>
      %max3A_676 = arith.maximumf %max3A_671, %get3A_675 : vector<2x16xbf16>
      %get3A_677 = arith.index_cast %mul3A_202 : i32 to index
      %get3A_678 = arith.constant 16 : index
      %get3A_679 = tpu.vector_load %arg5[%get3A_677, %get3A_678] {strides = array<i32>} : memref<256x64xbf16, #tpu.memory_space<vmem>>, vector<2x16xbf16>,
      %get3A_680 = vector.shape_cast %get3A_679 : vector<2x16xbf16> to vector<2x16xbf16>
      %max3A_681 = arith.maximumf %max3A_676, %get3A_680 : vector<2x16xbf16>
      %get3A_682 = arith.index_cast %mul3A_210 : i32 to index
      %get3A_683 = arith.constant 16 : index
      %get3A_684 = tpu.vector_load %arg5[%get3A_682, %get3A_683] {strides = array<i32>} : memref<256x64xbf16, #tpu.memory_space<vmem>>, vector<2x16xbf16>,
      %get3A_685 = vector.shape_cast %get3A_684 : vector<2x16xbf16> to vector<2x16xbf16>
      %max3A_686 = arith.maximumf %max3A_681, %get3A_685 : vector<2x16xbf16>
      %max3A_687 = arith.maximumf %max3A_514, %max3A_573 : vector<2x16xbf16>
      %max3A_688 = arith.maximumf %max3A_632, %max3A_686 : vector<2x16xbf16>
      %max3A_689 = arith.maximumf %max3A_687, %max3A_688 : vector<2x16xbf16>
      %mul3A_690 = arith.constant 2 : i32
      %mul3A_691 = arith.muli %scan3A_12, %mul3A_690 : i32
      %swap3A_692 = arith.index_cast %mul3A_691 : i32 to index
      %swap3A_693 = arith.constant 16 : index
      %swap3A_694 = tpu.vector_load %arg7[%swap3A_692, %swap3A_693] {strides = array<i32>} : memref<704x64xbf16, #tpu.memory_space<vmem>>, vector<2x16xbf16>,
      %swap3A_695 = vector.shape_cast %swap3A_694 : vector<2x16xbf16> to vector<2x16xbf16>
      %swap3A_696 = vector.shape_cast %max3A_689 : vector<2x16xbf16> to vector<2x16xbf16>
      tpu.vector_store %arg7[%swap3A_692, %swap3A_693], %swap3A_696 {strides = array<i32>} : memref<704x64xbf16, #tpu.memory_space<vmem>>, vector<2x16xbf16>,
      %get3A_697 = arith.index_cast %mul3A_124 : i32 to index
      %get3A_698 = arith.constant 32 : index
      %get3A_699 = tpu.vector_load %arg5[%get3A_697, %get3A_698] {strides = array<i32>} : memref<256x64xbf16, #tpu.memory_space<vmem>>, vector<2x16xbf16>,
      %get3A_700 = vector.shape_cast %get3A_699 : vector<2x16xbf16> to vector<2x16xbf16>
      %get3A_701 = arith.index_cast %mul3A_132 : i32 to index
      %get3A_702 = arith.constant 32 : index
      %get3A_703 = tpu.vector_load %arg5[%get3A_701, %get3A_702] {strides = array<i32>} : memref<256x64xbf16, #tpu.memory_space<vmem>>, vector<2x16xbf16>,
      %get3A_704 = vector.shape_cast %get3A_703 : vector<2x16xbf16> to vector<2x16xbf16>
      %max3A_705 = arith.maximumf %get3A_700, %get3A_704 : vector<2x16xbf16>
      %get3A_706 = arith.index_cast %mul3A_140 : i32 to index
      %get3A_707 = arith.constant 32 : index
      %get3A_708 = tpu.vector_load %arg5[%get3A_706, %get3A_707] {strides = array<i32>} : memref<256x64xbf16, #tpu.memory_space<vmem>>, vector<2x16xbf16>,
      %get3A_709 = vector.shape_cast %get3A_708 : vector<2x16xbf16> to vector<2x16xbf16>
      %max3A_710 = arith.maximumf %max3A_705, %get3A_709 : vector<2x16xbf16>
      %get3A_711 = arith.index_cast %mul3A_148 : i32 to index
      %get3A_712 = arith.constant 32 : index
      %get3A_713 = tpu.vector_load %arg5[%get3A_711, %get3A_712] {strides = array<i32>} : memref<256x64xbf16, #tpu.memory_space<vmem>>, vector<2x16xbf16>,
      %get3A_714 = vector.shape_cast %get3A_713 : vector<2x16xbf16> to vector<2x16xbf16>
      %max3A_715 = arith.maximumf %max3A_710, %get3A_714 : vector<2x16xbf16>
      %get3A_716 = arith.index_cast %mul3A_156 : i32 to index
      %get3A_717 = arith.constant 32 : index
      %get3A_718 = tpu.vector_load %arg5[%get3A_716, %get3A_717] {strides = array<i32>} : memref<256x64xbf16, #tpu.memory_space<vmem>>, vector<2x16xbf16>,
      %get3A_719 = vector.shape_cast %get3A_718 : vector<2x16xbf16> to vector<2x16xbf16>
      %max3A_720 = arith.maximumf %max3A_715, %get3A_719 : vector<2x16xbf16>
      %get3A_721 = arith.index_cast %mul3A_164 : i32 to index
      %get3A_722 = arith.constant 32 : index
      %get3A_723 = tpu.vector_load %arg5[%get3A_721, %get3A_722] {strides = array<i32>} : memref<256x64xbf16, #tpu.memory_space<vmem>>, vector<2x16xbf16>,
      %get3A_724 = vector.shape_cast %get3A_723 : vector<2x16xbf16> to vector<2x16xbf16>
      %max3A_725 = arith.maximumf %max3A_720, %get3A_724 : vector<2x16xbf16>
      %get3A_726 = arith.index_cast %mul3A_172 : i32 to index
      %get3A_727 = arith.constant 32 : index
      %get3A_728 = tpu.vector_load %arg5[%get3A_726, %get3A_727] {strides = array<i32>} : memref<256x64xbf16, #tpu.memory_space<vmem>>, vector<2x16xbf16>,
      %get3A_729 = vector.shape_cast %get3A_728 : vector<2x16xbf16> to vector<2x16xbf16>
      %max3A_730 = arith.maximumf %max3A_725, %get3A_729 : vector<2x16xbf16>
      %get3A_731 = arith.index_cast %mul3A_180 : i32 to index
      %get3A_732 = arith.constant 32 : index
      %get3A_733 = tpu.vector_load %arg5[%get3A_731, %get3A_732] {strides = array<i32>} : memref<256x64xbf16, #tpu.memory_space<vmem>>, vector<2x16xbf16>,
      %get3A_734 = vector.shape_cast %get3A_733 : vector<2x16xbf16> to vector<2x16xbf16>
      %max3A_735 = arith.maximumf %max3A_730, %get3A_734 : vector<2x16xbf16>
      %get3A_736 = arith.index_cast %mul3A_188 : i32 to index
      %get3A_737 = arith.constant 32 : index
      %get3A_738 = tpu.vector_load %arg5[%get3A_736, %get3A_737] {strides = array<i32>} : memref<256x64xbf16, #tpu.memory_space<vmem>>, vector<2x16xbf16>,
      %get3A_739 = vector.shape_cast %get3A_738 : vector<2x16xbf16> to vector<2x16xbf16>
      %max3A_740 = arith.maximumf %max3A_735, %get3A_739 : vector<2x16xbf16>
      %get3A_741 = arith.index_cast %mul3A_196 : i32 to index
      %get3A_742 = arith.constant 32 : index
      %get3A_743 = tpu.vector_load %arg5[%get3A_741, %get3A_742] {strides = array<i32>} : memref<256x64xbf16, #tpu.memory_space<vmem>>, vector<2x16xbf16>,
      %get3A_744 = vector.shape_cast %get3A_743 : vector<2x16xbf16> to vector<2x16xbf16>
      %max3A_745 = arith.maximumf %max3A_740, %get3A_744 : vector<2x16xbf16>
      %get3A_746 = arith.index_cast %mul3A_204 : i32 to index
      %get3A_747 = arith.constant 32 : index
      %get3A_748 = tpu.vector_load %arg5[%get3A_746, %get3A_747] {strides = array<i32>} : memref<256x64xbf16, #tpu.memory_space<vmem>>, vector<2x16xbf16>,
      %get3A_749 = vector.shape_cast %get3A_748 : vector<2x16xbf16> to vector<2x16xbf16>
      %max3A_750 = arith.maximumf %max3A_745, %get3A_749 : vector<2x16xbf16>
      %get3A_751 = arith.index_cast %mul3A_212 : i32 to index
      %get3A_752 = arith.constant 32 : index
      %get3A_753 = tpu.vector_load %arg5[%get3A_751, %get3A_752] {strides = array<i32>} : memref<256x64xbf16, #tpu.memory_space<vmem>>, vector<2x16xbf16>,
      %get3A_754 = vector.shape_cast %get3A_753 : vector<2x16xbf16> to vector<2x16xbf16>
      %max3A_755 = arith.maximumf %max3A_750, %get3A_754 : vector<2x16xbf16>
      %get3A_756 = arith.index_cast %mul3A_126 : i32 to index
      %get3A_757 = arith.constant 32 : index
      %get3A_758 = tpu.vector_load %arg5[%get3A_756, %get3A_757] {strides = array<i32>} : memref<256x64xbf16, #tpu.memory_space<vmem>>, vector<2x16xbf16>,
      %get3A_759 = vector.shape_cast %get3A_758 : vector<2x16xbf16> to vector<2x16xbf16>
      %get3A_760 = arith.index_cast %mul3A_134 : i32 to index
      %get3A_761 = arith.constant 32 : index
      %get3A_762 = tpu.vector_load %arg5[%get3A_760, %get3A_761] {strides = array<i32>} : memref<256x64xbf16, #tpu.memory_space<vmem>>, vector<2x16xbf16>,
      %get3A_763 = vector.shape_cast %get3A_762 : vector<2x16xbf16> to vector<2x16xbf16>
      %max3A_764 = arith.maximumf %get3A_759, %get3A_763 : vector<2x16xbf16>
      %get3A_765 = arith.index_cast %mul3A_142 : i32 to index
      %get3A_766 = arith.constant 32 : index
      %get3A_767 = tpu.vector_load %arg5[%get3A_765, %get3A_766] {strides = array<i32>} : memref<256x64xbf16, #tpu.memory_space<vmem>>, vector<2x16xbf16>,
      %get3A_768 = vector.shape_cast %get3A_767 : vector<2x16xbf16> to vector<2x16xbf16>
      %max3A_769 = arith.maximumf %max3A_764, %get3A_768 : vector<2x16xbf16>
      %get3A_770 = arith.index_cast %mul3A_150 : i32 to index
      %get3A_771 = arith.constant 32 : index
      %get3A_772 = tpu.vector_load %arg5[%get3A_770, %get3A_771] {strides = array<i32>} : memref<256x64xbf16, #tpu.memory_space<vmem>>, vector<2x16xbf16>,
      %get3A_773 = vector.shape_cast %get3A_772 : vector<2x16xbf16> to vector<2x16xbf16>
      %max3A_774 = arith.maximumf %max3A_769, %get3A_773 : vector<2x16xbf16>
      %get3A_775 = arith.index_cast %mul3A_158 : i32 to index
      %get3A_776 = arith.constant 32 : index
      %get3A_777 = tpu.vector_load %arg5[%get3A_775, %get3A_776] {strides = array<i32>} : memref<256x64xbf16, #tpu.memory_space<vmem>>, vector<2x16xbf16>,
      %get3A_778 = vector.shape_cast %get3A_777 : vector<2x16xbf16> to vector<2x16xbf16>
      %max3A_779 = arith.maximumf %max3A_774, %get3A_778 : vector<2x16xbf16>
      %get3A_780 = arith.index_cast %mul3A_166 : i32 to index
      %get3A_781 = arith.constant 32 : index
      %get3A_782 = tpu.vector_load %arg5[%get3A_780, %get3A_781] {strides = array<i32>} : memref<256x64xbf16, #tpu.memory_space<vmem>>, vector<2x16xbf16>,
      %get3A_783 = vector.shape_cast %get3A_782 : vector<2x16xbf16> to vector<2x16xbf16>
      %max3A_784 = arith.maximumf %max3A_779, %get3A_783 : vector<2x16xbf16>
      %get3A_785 = arith.index_cast %mul3A_174 : i32 to index
      %get3A_786 = arith.constant 32 : index
      %get3A_787 = tpu.vector_load %arg5[%get3A_785, %get3A_786] {strides = array<i32>} : memref<256x64xbf16, #tpu.memory_space<vmem>>, vector<2x16xbf16>,
      %get3A_788 = vector.shape_cast %get3A_787 : vector<2x16xbf16> to vector<2x16xbf16>
      %max3A_789 = arith.maximumf %max3A_784, %get3A_788 : vector<2x16xbf16>
      %get3A_790 = arith.index_cast %mul3A_182 : i32 to index
      %get3A_791 = arith.constant 32 : index
      %get3A_792 = tpu.vector_load %arg5[%get3A_790, %get3A_791] {strides = array<i32>} : memref<256x64xbf16, #tpu.memory_space<vmem>>, vector<2x16xbf16>,
      %get3A_793 = vector.shape_cast %get3A_792 : vector<2x16xbf16> to vector<2x16xbf16>
      %max3A_794 = arith.maximumf %max3A_789, %get3A_793 : vector<2x16xbf16>
      %get3A_795 = arith.index_cast %mul3A_190 : i32 to index
      %get3A_796 = arith.constant 32 : index
      %get3A_797 = tpu.vector_load %arg5[%get3A_795, %get3A_796] {strides = array<i32>} : memref<256x64xbf16, #tpu.memory_space<vmem>>, vector<2x16xbf16>,
      %get3A_798 = vector.shape_cast %get3A_797 : vector<2x16xbf16> to vector<2x16xbf16>
      %max3A_799 = arith.maximumf %max3A_794, %get3A_798 : vector<2x16xbf16>
      %get3A_800 = arith.index_cast %mul3A_198 : i32 to index
      %get3A_801 = arith.constant 32 : index
      %get3A_802 = tpu.vector_load %arg5[%get3A_800, %get3A_801] {strides = array<i32>} : memref<256x64xbf16, #tpu.memory_space<vmem>>, vector<2x16xbf16>,
      %get3A_803 = vector.shape_cast %get3A_802 : vector<2x16xbf16> to vector<2x16xbf16>
      %max3A_804 = arith.maximumf %max3A_799, %get3A_803 : vector<2x16xbf16>
      %get3A_805 = arith.index_cast %mul3A_206 : i32 to index
      %get3A_806 = arith.constant 32 : index
      %get3A_807 = tpu.vector_load %arg5[%get3A_805, %get3A_806] {strides = array<i32>} : memref<256x64xbf16, #tpu.memory_space<vmem>>, vector<2x16xbf16>,
      %get3A_808 = vector.shape_cast %get3A_807 : vector<2x16xbf16> to vector<2x16xbf16>
      %max3A_809 = arith.maximumf %max3A_804, %get3A_808 : vector<2x16xbf16>
      %get3A_810 = arith.index_cast %mul3A_214 : i32 to index
      %get3A_811 = arith.constant 32 : index
      %get3A_812 = tpu.vector_load %arg5[%get3A_810, %get3A_811] {strides = array<i32>} : memref<256x64xbf16, #tpu.memory_space<vmem>>, vector<2x16xbf16>,
      %get3A_813 = vector.shape_cast %get3A_812 : vector<2x16xbf16> to vector<2x16xbf16>
      %max3A_814 = arith.maximumf %max3A_809, %get3A_813 : vector<2x16xbf16>
      %get3A_815 = arith.index_cast %mul3A_128 : i32 to index
      %get3A_816 = arith.constant 32 : index
      %get3A_817 = tpu.vector_load %arg5[%get3A_815, %get3A_816] {strides = array<i32>} : memref<256x64xbf16, #tpu.memory_space<vmem>>, vector<2x16xbf16>,
      %get3A_818 = vector.shape_cast %get3A_817 : vector<2x16xbf16> to vector<2x16xbf16>
      %get3A_819 = arith.index_cast %mul3A_136 : i32 to index
      %get3A_820 = arith.constant 32 : index
      %get3A_821 = tpu.vector_load %arg5[%get3A_819, %get3A_820] {strides = array<i32>} : memref<256x64xbf16, #tpu.memory_space<vmem>>, vector<2x16xbf16>,
      %get3A_822 = vector.shape_cast %get3A_821 : vector<2x16xbf16> to vector<2x16xbf16>
      %max3A_823 = arith.maximumf %get3A_818, %get3A_822 : vector<2x16xbf16>
      %get3A_824 = arith.index_cast %mul3A_144 : i32 to index
      %get3A_825 = arith.constant 32 : index
      %get3A_826 = tpu.vector_load %arg5[%get3A_824, %get3A_825] {strides = array<i32>} : memref<256x64xbf16, #tpu.memory_space<vmem>>, vector<2x16xbf16>,
      %get3A_827 = vector.shape_cast %get3A_826 : vector<2x16xbf16> to vector<2x16xbf16>
      %max3A_828 = arith.maximumf %max3A_823, %get3A_827 : vector<2x16xbf16>
      %get3A_829 = arith.index_cast %mul3A_152 : i32 to index
      %get3A_830 = arith.constant 32 : index
      %get3A_831 = tpu.vector_load %arg5[%get3A_829, %get3A_830] {strides = array<i32>} : memref<256x64xbf16, #tpu.memory_space<vmem>>, vector<2x16xbf16>,
      %get3A_832 = vector.shape_cast %get3A_831 : vector<2x16xbf16> to vector<2x16xbf16>
      %max3A_833 = arith.maximumf %max3A_828, %get3A_832 : vector<2x16xbf16>
      %get3A_834 = arith.index_cast %mul3A_160 : i32 to index
      %get3A_835 = arith.constant 32 : index
      %get3A_836 = tpu.vector_load %arg5[%get3A_834, %get3A_835] {strides = array<i32>} : memref<256x64xbf16, #tpu.memory_space<vmem>>, vector<2x16xbf16>,
      %get3A_837 = vector.shape_cast %get3A_836 : vector<2x16xbf16> to vector<2x16xbf16>
      %max3A_838 = arith.maximumf %max3A_833, %get3A_837 : vector<2x16xbf16>
      %get3A_839 = arith.index_cast %mul3A_168 : i32 to index
      %get3A_840 = arith.constant 32 : index
      %get3A_841 = tpu.vector_load %arg5[%get3A_839, %get3A_840] {strides = array<i32>} : memref<256x64xbf16, #tpu.memory_space<vmem>>, vector<2x16xbf16>,
      %get3A_842 = vector.shape_cast %get3A_841 : vector<2x16xbf16> to vector<2x16xbf16>
      %max3A_843 = arith.maximumf %max3A_838, %get3A_842 : vector<2x16xbf16>
      %get3A_844 = arith.index_cast %mul3A_176 : i32 to index
      %get3A_845 = arith.constant 32 : index
      %get3A_846 = tpu.vector_load %arg5[%get3A_844, %get3A_845] {strides = array<i32>} : memref<256x64xbf16, #tpu.memory_space<vmem>>, vector<2x16xbf16>,
      %get3A_847 = vector.shape_cast %get3A_846 : vector<2x16xbf16> to vector<2x16xbf16>
      %max3A_848 = arith.maximumf %max3A_843, %get3A_847 : vector<2x16xbf16>
      %get3A_849 = arith.index_cast %mul3A_184 : i32 to index
      %get3A_850 = arith.constant 32 : index
      %get3A_851 = tpu.vector_load %arg5[%get3A_849, %get3A_850] {strides = array<i32>} : memref<256x64xbf16, #tpu.memory_space<vmem>>, vector<2x16xbf16>,
      %get3A_852 = vector.shape_cast %get3A_851 : vector<2x16xbf16> to vector<2x16xbf16>
      %max3A_853 = arith.maximumf %max3A_848, %get3A_852 : vector<2x16xbf16>
      %get3A_854 = arith.index_cast %mul3A_192 : i32 to index
      %get3A_855 = arith.constant 32 : index
      %get3A_856 = tpu.vector_load %arg5[%get3A_854, %get3A_855] {strides = array<i32>} : memref<256x64xbf16, #tpu.memory_space<vmem>>, vector<2x16xbf16>,
      %get3A_857 = vector.shape_cast %get3A_856 : vector<2x16xbf16> to vector<2x16xbf16>
      %max3A_858 = arith.maximumf %max3A_853, %get3A_857 : vector<2x16xbf16>
      %get3A_859 = arith.index_cast %mul3A_200 : i32 to index
      %get3A_860 = arith.constant 32 : index
      %get3A_861 = tpu.vector_load %arg5[%get3A_859, %get3A_860] {strides = array<i32>} : memref<256x64xbf16, #tpu.memory_space<vmem>>, vector<2x16xbf16>,
      %get3A_862 = vector.shape_cast %get3A_861 : vector<2x16xbf16> to vector<2x16xbf16>
      %max3A_863 = arith.maximumf %max3A_858, %get3A_862 : vector<2x16xbf16>
      %get3A_864 = arith.index_cast %mul3A_208 : i32 to index
      %get3A_865 = arith.constant 32 : index
      %get3A_866 = tpu.vector_load %arg5[%get3A_864, %get3A_865] {strides = array<i32>} : memref<256x64xbf16, #tpu.memory_space<vmem>>, vector<2x16xbf16>,
      %get3A_867 = vector.shape_cast %get3A_866 : vector<2x16xbf16> to vector<2x16xbf16>
      %max3A_868 = arith.maximumf %max3A_863, %get3A_867 : vector<2x16xbf16>
      %get3A_869 = arith.index_cast %mul3A_216 : i32 to index
      %get3A_870 = arith.constant 32 : index
      %get3A_871 = tpu.vector_load %arg5[%get3A_869, %get3A_870] {strides = array<i32>} : memref<256x64xbf16, #tpu.memory_space<vmem>>, vector<2x16xbf16>,
      %get3A_872 = vector.shape_cast %get3A_871 : vector<2x16xbf16> to vector<2x16xbf16>
      %max3A_873 = arith.maximumf %max3A_868, %get3A_872 : vector<2x16xbf16>
      %get3A_874 = arith.index_cast %mul3A_130 : i32 to index
      %get3A_875 = arith.constant 32 : index
      %get3A_876 = tpu.vector_load %arg5[%get3A_874, %get3A_875] {strides = array<i32>} : memref<256x64xbf16, #tpu.memory_space<vmem>>, vector<2x16xbf16>,
      %get3A_877 = vector.shape_cast %get3A_876 : vector<2x16xbf16> to vector<2x16xbf16>
      %get3A_878 = arith.index_cast %mul3A_138 : i32 to index
      %get3A_879 = arith.constant 32 : index
      %get3A_880 = tpu.vector_load %arg5[%get3A_878, %get3A_879] {strides = array<i32>} : memref<256x64xbf16, #tpu.memory_space<vmem>>, vector<2x16xbf16>,
      %get3A_881 = vector.shape_cast %get3A_880 : vector<2x16xbf16> to vector<2x16xbf16>
      %max3A_882 = arith.maximumf %get3A_877, %get3A_881 : vector<2x16xbf16>
      %get3A_883 = arith.index_cast %mul3A_146 : i32 to index
      %get3A_884 = arith.constant 32 : index
      %get3A_885 = tpu.vector_load %arg5[%get3A_883, %get3A_884] {strides = array<i32>} : memref<256x64xbf16, #tpu.memory_space<vmem>>, vector<2x16xbf16>,
      %get3A_886 = vector.shape_cast %get3A_885 : vector<2x16xbf16> to vector<2x16xbf16>
      %max3A_887 = arith.maximumf %max3A_882, %get3A_886 : vector<2x16xbf16>
      %get3A_888 = arith.index_cast %mul3A_154 : i32 to index
      %get3A_889 = arith.constant 32 : index
      %get3A_890 = tpu.vector_load %arg5[%get3A_888, %get3A_889] {strides = array<i32>} : memref<256x64xbf16, #tpu.memory_space<vmem>>, vector<2x16xbf16>,
      %get3A_891 = vector.shape_cast %get3A_890 : vector<2x16xbf16> to vector<2x16xbf16>
      %max3A_892 = arith.maximumf %max3A_887, %get3A_891 : vector<2x16xbf16>
      %get3A_893 = arith.index_cast %mul3A_162 : i32 to index
      %get3A_894 = arith.constant 32 : index
      %get3A_895 = tpu.vector_load %arg5[%get3A_893, %get3A_894] {strides = array<i32>} : memref<256x64xbf16, #tpu.memory_space<vmem>>, vector<2x16xbf16>,
      %get3A_896 = vector.shape_cast %get3A_895 : vector<2x16xbf16> to vector<2x16xbf16>
      %max3A_897 = arith.maximumf %max3A_892, %get3A_896 : vector<2x16xbf16>
      %get3A_898 = arith.index_cast %mul3A_170 : i32 to index
      %get3A_899 = arith.constant 32 : index
      %get3A_900 = tpu.vector_load %arg5[%get3A_898, %get3A_899] {strides = array<i32>} : memref<256x64xbf16, #tpu.memory_space<vmem>>, vector<2x16xbf16>,
      %get3A_901 = vector.shape_cast %get3A_900 : vector<2x16xbf16> to vector<2x16xbf16>
      %max3A_902 = arith.maximumf %max3A_897, %get3A_901 : vector<2x16xbf16>
      %get3A_903 = arith.index_cast %mul3A_178 : i32 to index
      %get3A_904 = arith.constant 32 : index
      %get3A_905 = tpu.vector_load %arg5[%get3A_903, %get3A_904] {strides = array<i32>} : memref<256x64xbf16, #tpu.memory_space<vmem>>, vector<2x16xbf16>,
      %get3A_906 = vector.shape_cast %get3A_905 : vector<2x16xbf16> to vector<2x16xbf16>
      %max3A_907 = arith.maximumf %max3A_902, %get3A_906 : vector<2x16xbf16>
      %get3A_908 = arith.index_cast %mul3A_186 : i32 to index
      %get3A_909 = arith.constant 32 : index
      %get3A_910 = tpu.vector_load %arg5[%get3A_908, %get3A_909] {strides = array<i32>} : memref<256x64xbf16, #tpu.memory_space<vmem>>, vector<2x16xbf16>,
      %get3A_911 = vector.shape_cast %get3A_910 : vector<2x16xbf16> to vector<2x16xbf16>
      %max3A_912 = arith.maximumf %max3A_907, %get3A_911 : vector<2x16xbf16>
      %get3A_913 = arith.index_cast %mul3A_194 : i32 to index
      %get3A_914 = arith.constant 32 : index
      %get3A_915 = tpu.vector_load %arg5[%get3A_913, %get3A_914] {strides = array<i32>} : memref<256x64xbf16, #tpu.memory_space<vmem>>, vector<2x16xbf16>,
      %get3A_916 = vector.shape_cast %get3A_915 : vector<2x16xbf16> to vector<2x16xbf16>
      %max3A_917 = arith.maximumf %max3A_912, %get3A_916 : vector<2x16xbf16>
      %get3A_918 = arith.index_cast %mul3A_202 : i32 to index
      %get3A_919 = arith.constant 32 : index
      %get3A_920 = tpu.vector_load %arg5[%get3A_918, %get3A_919] {strides = array<i32>} : memref<256x64xbf16, #tpu.memory_space<vmem>>, vector<2x16xbf16>,
      %get3A_921 = vector.shape_cast %get3A_920 : vector<2x16xbf16> to vector<2x16xbf16>
      %max3A_922 = arith.maximumf %max3A_917, %get3A_921 : vector<2x16xbf16>
      %get3A_923 = arith.index_cast %mul3A_210 : i32 to index
      %get3A_924 = arith.constant 32 : index
      %get3A_925 = tpu.vector_load %arg5[%get3A_923, %get3A_924] {strides = array<i32>} : memref<256x64xbf16, #tpu.memory_space<vmem>>, vector<2x16xbf16>,
      %get3A_926 = vector.shape_cast %get3A_925 : vector<2x16xbf16> to vector<2x16xbf16>
      %max3A_927 = arith.maximumf %max3A_922, %get3A_926 : vector<2x16xbf16>
      %max3A_928 = arith.maximumf %max3A_755, %max3A_814 : vector<2x16xbf16>
      %max3A_929 = arith.maximumf %max3A_873, %max3A_927 : vector<2x16xbf16>
      %max3A_930 = arith.maximumf %max3A_928, %max3A_929 : vector<2x16xbf16>
      %mul3A_931 = arith.constant 2 : i32
      %mul3A_932 = arith.muli %scan3A_12, %mul3A_931 : i32
      %swap3A_933 = arith.index_cast %mul3A_932 : i32 to index
      %swap3A_934 = arith.constant 32 : index
      %swap3A_935 = tpu.vector_load %arg7[%swap3A_933, %swap3A_934] {strides = array<i32>} : memref<704x64xbf16, #tpu.memory_space<vmem>>, vector<2x16xbf16>,
      %swap3A_936 = vector.shape_cast %swap3A_935 : vector<2x16xbf16> to vector<2x16xbf16>
      %swap3A_937 = vector.shape_cast %max3A_930 : vector<2x16xbf16> to vector<2x16xbf16>
      tpu.vector_store %arg7[%swap3A_933, %swap3A_934], %swap3A_937 {strides = array<i32>} : memref<704x64xbf16, #tpu.memory_space<vmem>>, vector<2x16xbf16>,
      %get3A_938 = arith.index_cast %mul3A_124 : i32 to index
      %get3A_939 = arith.constant 48 : index
      %get3A_940 = tpu.vector_load %arg5[%get3A_938, %get3A_939] {strides = array<i32>} : memref<256x64xbf16, #tpu.memory_space<vmem>>, vector<2x16xbf16>,
      %get3A_941 = vector.shape_cast %get3A_940 : vector<2x16xbf16> to vector<2x16xbf16>
      %get3A_942 = arith.index_cast %mul3A_132 : i32 to index
      %get3A_943 = arith.constant 48 : index
      %get3A_944 = tpu.vector_load %arg5[%get3A_942, %get3A_943] {strides = array<i32>} : memref<256x64xbf16, #tpu.memory_space<vmem>>, vector<2x16xbf16>,
      %get3A_945 = vector.shape_cast %get3A_944 : vector<2x16xbf16> to vector<2x16xbf16>
      %max3A_946 = arith.maximumf %get3A_941, %get3A_945 : vector<2x16xbf16>
      %get3A_947 = arith.index_cast %mul3A_140 : i32 to index
      %get3A_948 = arith.constant 48 : index
      %get3A_949 = tpu.vector_load %arg5[%get3A_947, %get3A_948] {strides = array<i32>} : memref<256x64xbf16, #tpu.memory_space<vmem>>, vector<2x16xbf16>,
      %get3A_950 = vector.shape_cast %get3A_949 : vector<2x16xbf16> to vector<2x16xbf16>
      %max3A_951 = arith.maximumf %max3A_946, %get3A_950 : vector<2x16xbf16>
      %get3A_952 = arith.index_cast %mul3A_148 : i32 to index
      %get3A_953 = arith.constant 48 : index
      %get3A_954 = tpu.vector_load %arg5[%get3A_952, %get3A_953] {strides = array<i32>} : memref<256x64xbf16, #tpu.memory_space<vmem>>, vector<2x16xbf16>,
      %get3A_955 = vector.shape_cast %get3A_954 : vector<2x16xbf16> to vector<2x16xbf16>
      %max3A_956 = arith.maximumf %max3A_951, %get3A_955 : vector<2x16xbf16>
      %get3A_957 = arith.index_cast %mul3A_156 : i32 to index
      %get3A_958 = arith.constant 48 : index
      %get3A_959 = tpu.vector_load %arg5[%get3A_957, %get3A_958] {strides = array<i32>} : memref<256x64xbf16, #tpu.memory_space<vmem>>, vector<2x16xbf16>,
      %get3A_960 = vector.shape_cast %get3A_959 : vector<2x16xbf16> to vector<2x16xbf16>
      %max3A_961 = arith.maximumf %max3A_956, %get3A_960 : vector<2x16xbf16>
      %get3A_962 = arith.index_cast %mul3A_164 : i32 to index
      %get3A_963 = arith.constant 48 : index
      %get3A_964 = tpu.vector_load %arg5[%get3A_962, %get3A_963] {strides = array<i32>} : memref<256x64xbf16, #tpu.memory_space<vmem>>, vector<2x16xbf16>,
      %get3A_965 = vector.shape_cast %get3A_964 : vector<2x16xbf16> to vector<2x16xbf16>
      %max3A_966 = arith.maximumf %max3A_961, %get3A_965 : vector<2x16xbf16>
      %get3A_967 = arith.index_cast %mul3A_172 : i32 to index
      %get3A_968 = arith.constant 48 : index
      %get3A_969 = tpu.vector_load %arg5[%get3A_967, %get3A_968] {strides = array<i32>} : memref<256x64xbf16, #tpu.memory_space<vmem>>, vector<2x16xbf16>,
      %get3A_970 = vector.shape_cast %get3A_969 : vector<2x16xbf16> to vector<2x16xbf16>
      %max3A_971 = arith.maximumf %max3A_966, %get3A_970 : vector<2x16xbf16>
      %get3A_972 = arith.index_cast %mul3A_180 : i32 to index
      %get3A_973 = arith.constant 48 : index
      %get3A_974 = tpu.vector_load %arg5[%get3A_972, %get3A_973] {strides = array<i32>} : memref<256x64xbf16, #tpu.memory_space<vmem>>, vector<2x16xbf16>,
      %get3A_975 = vector.shape_cast %get3A_974 : vector<2x16xbf16> to vector<2x16xbf16>
      %max3A_976 = arith.maximumf %max3A_971, %get3A_975 : vector<2x16xbf16>
      %get3A_977 = arith.index_cast %mul3A_188 : i32 to index
      %get3A_978 = arith.constant 48 : index
      %get3A_979 = tpu.vector_load %arg5[%get3A_977, %get3A_978] {strides = array<i32>} : memref<256x64xbf16, #tpu.memory_space<vmem>>, vector<2x16xbf16>,
      %get3A_980 = vector.shape_cast %get3A_979 : vector<2x16xbf16> to vector<2x16xbf16>
      %max3A_981 = arith.maximumf %max3A_976, %get3A_980 : vector<2x16xbf16>
      %get3A_982 = arith.index_cast %mul3A_196 : i32 to index
      %get3A_983 = arith.constant 48 : index
      %get3A_984 = tpu.vector_load %arg5[%get3A_982, %get3A_983] {strides = array<i32>} : memref<256x64xbf16, #tpu.memory_space<vmem>>, vector<2x16xbf16>,
      %get3A_985 = vector.shape_cast %get3A_984 : vector<2x16xbf16> to vector<2x16xbf16>
      %max3A_986 = arith.maximumf %max3A_981, %get3A_985 : vector<2x16xbf16>
      %get3A_987 = arith.index_cast %mul3A_204 : i32 to index
      %get3A_988 = arith.constant 48 : index
      %get3A_989 = tpu.vector_load %arg5[%get3A_987, %get3A_988] {strides = array<i32>} : memref<256x64xbf16, #tpu.memory_space<vmem>>, vector<2x16xbf16>,
      %get3A_990 = vector.shape_cast %get3A_989 : vector<2x16xbf16> to vector<2x16xbf16>
      %max3A_991 = arith.maximumf %max3A_986, %get3A_990 : vector<2x16xbf16>
      %get3A_992 = arith.index_cast %mul3A_212 : i32 to index
      %get3A_993 = arith.constant 48 : index
      %get3A_994 = tpu.vector_load %arg5[%get3A_992, %get3A_993] {strides = array<i32>} : memref<256x64xbf16, #tpu.memory_space<vmem>>, vector<2x16xbf16>,
      %get3A_995 = vector.shape_cast %get3A_994 : vector<2x16xbf16> to vector<2x16xbf16>
      %max3A_996 = arith.maximumf %max3A_991, %get3A_995 : vector<2x16xbf16>
      %get3A_997 = arith.index_cast %mul3A_126 : i32 to index
      %get3A_998 = arith.constant 48 : index
      %get3A_999 = tpu.vector_load %arg5[%get3A_997, %get3A_998] {strides = array<i32>} : memref<256x64xbf16, #tpu.memory_space<vmem>>, vector<2x16xbf16>,
      %get3A_1000 = vector.shape_cast %get3A_999 : vector<2x16xbf16> to vector<2x16xbf16>
      %get3A_1001 = arith.index_cast %mul3A_134 : i32 to index
      %get3A_1002 = arith.constant 48 : index
      %get3A_1003 = tpu.vector_load %arg5[%get3A_1001, %get3A_1002] {strides = array<i32>} : memref<256x64xbf16, #tpu.memory_space<vmem>>, vector<2x16xbf16>,
      %get3A_1004 = vector.shape_cast %get3A_1003 : vector<2x16xbf16> to vector<2x16xbf16>
      %max3A_1005 = arith.maximumf %get3A_1000, %get3A_1004 : vector<2x16xbf16>
      %get3A_1006 = arith.index_cast %mul3A_142 : i32 to index
      %get3A_1007 = arith.constant 48 : index
      %get3A_1008 = tpu.vector_load %arg5[%get3A_1006, %get3A_1007] {strides = array<i32>} : memref<256x64xbf16, #tpu.memory_space<vmem>>, vector<2x16xbf16>,
      %get3A_1009 = vector.shape_cast %get3A_1008 : vector<2x16xbf16> to vector<2x16xbf16>
      %max3A_1010 = arith.maximumf %max3A_1005, %get3A_1009 : vector<2x16xbf16>
      %get3A_1011 = arith.index_cast %mul3A_150 : i32 to index
      %get3A_1012 = arith.constant 48 : index
      %get3A_1013 = tpu.vector_load %arg5[%get3A_1011, %get3A_1012] {strides = array<i32>} : memref<256x64xbf16, #tpu.memory_space<vmem>>, vector<2x16xbf16>,
      %get3A_1014 = vector.shape_cast %get3A_1013 : vector<2x16xbf16> to vector<2x16xbf16>
      %max3A_1015 = arith.maximumf %max3A_1010, %get3A_1014 : vector<2x16xbf16>
      %get3A_1016 = arith.index_cast %mul3A_158 : i32 to index
      %get3A_1017 = arith.constant 48 : index
      %get3A_1018 = tpu.vector_load %arg5[%get3A_1016, %get3A_1017] {strides = array<i32>} : memref<256x64xbf16, #tpu.memory_space<vmem>>, vector<2x16xbf16>,
      %get3A_1019 = vector.shape_cast %get3A_1018 : vector<2x16xbf16> to vector<2x16xbf16>
      %max3A_1020 = arith.maximumf %max3A_1015, %get3A_1019 : vector<2x16xbf16>
      %get3A_1021 = arith.index_cast %mul3A_166 : i32 to index
      %get3A_1022 = arith.constant 48 : index
      %get3A_1023 = tpu.vector_load %arg5[%get3A_1021, %get3A_1022] {strides = array<i32>} : memref<256x64xbf16, #tpu.memory_space<vmem>>, vector<2x16xbf16>,
      %get3A_1024 = vector.shape_cast %get3A_1023 : vector<2x16xbf16> to vector<2x16xbf16>
      %max3A_1025 = arith.maximumf %max3A_1020, %get3A_1024 : vector<2x16xbf16>
      %get3A_1026 = arith.index_cast %mul3A_174 : i32 to index
      %get3A_1027 = arith.constant 48 : index
      %get3A_1028 = tpu.vector_load %arg5[%get3A_1026, %get3A_1027] {strides = array<i32>} : memref<256x64xbf16, #tpu.memory_space<vmem>>, vector<2x16xbf16>,
      %get3A_1029 = vector.shape_cast %get3A_1028 : vector<2x16xbf16> to vector<2x16xbf16>
      %max3A_1030 = arith.maximumf %max3A_1025, %get3A_1029 : vector<2x16xbf16>
      %get3A_1031 = arith.index_cast %mul3A_182 : i32 to index
      %get3A_1032 = arith.constant 48 : index
      %get3A_1033 = tpu.vector_load %arg5[%get3A_1031, %get3A_1032] {strides = array<i32>} : memref<256x64xbf16, #tpu.memory_space<vmem>>, vector<2x16xbf16>,
      %get3A_1034 = vector.shape_cast %get3A_1033 : vector<2x16xbf16> to vector<2x16xbf16>
      %max3A_1035 = arith.maximumf %max3A_1030, %get3A_1034 : vector<2x16xbf16>
      %get3A_1036 = arith.index_cast %mul3A_190 : i32 to index
      %get3A_1037 = arith.constant 48 : index
      %get3A_1038 = tpu.vector_load %arg5[%get3A_1036, %get3A_1037] {strides = array<i32>} : memref<256x64xbf16, #tpu.memory_space<vmem>>, vector<2x16xbf16>,
      %get3A_1039 = vector.shape_cast %get3A_1038 : vector<2x16xbf16> to vector<2x16xbf16>
      %max3A_1040 = arith.maximumf %max3A_1035, %get3A_1039 : vector<2x16xbf16>
      %get3A_1041 = arith.index_cast %mul3A_198 : i32 to index
      %get3A_1042 = arith.constant 48 : index
      %get3A_1043 = tpu.vector_load %arg5[%get3A_1041, %get3A_1042] {strides = array<i32>} : memref<256x64xbf16, #tpu.memory_space<vmem>>, vector<2x16xbf16>,
      %get3A_1044 = vector.shape_cast %get3A_1043 : vector<2x16xbf16> to vector<2x16xbf16>
      %max3A_1045 = arith.maximumf %max3A_1040, %get3A_1044 : vector<2x16xbf16>
      %get3A_1046 = arith.index_cast %mul3A_206 : i32 to index
      %get3A_1047 = arith.constant 48 : index
      %get3A_1048 = tpu.vector_load %arg5[%get3A_1046, %get3A_1047] {strides = array<i32>} : memref<256x64xbf16, #tpu.memory_space<vmem>>, vector<2x16xbf16>,
      %get3A_1049 = vector.shape_cast %get3A_1048 : vector<2x16xbf16> to vector<2x16xbf16>
      %max3A_1050 = arith.maximumf %max3A_1045, %get3A_1049 : vector<2x16xbf16>
      %get3A_1051 = arith.index_cast %mul3A_214 : i32 to index
      %get3A_1052 = arith.constant 48 : index
      %get3A_1053 = tpu.vector_load %arg5[%get3A_1051, %get3A_1052] {strides = array<i32>} : memref<256x64xbf16, #tpu.memory_space<vmem>>, vector<2x16xbf16>,
      %get3A_1054 = vector.shape_cast %get3A_1053 : vector<2x16xbf16> to vector<2x16xbf16>
      %max3A_1055 = arith.maximumf %max3A_1050, %get3A_1054 : vector<2x16xbf16>
      %get3A_1056 = arith.index_cast %mul3A_128 : i32 to index
      %get3A_1057 = arith.constant 48 : index
      %get3A_1058 = tpu.vector_load %arg5[%get3A_1056, %get3A_1057] {strides = array<i32>} : memref<256x64xbf16, #tpu.memory_space<vmem>>, vector<2x16xbf16>,
      %get3A_1059 = vector.shape_cast %get3A_1058 : vector<2x16xbf16> to vector<2x16xbf16>
      %get3A_1060 = arith.index_cast %mul3A_136 : i32 to index
      %get3A_1061 = arith.constant 48 : index
      %get3A_1062 = tpu.vector_load %arg5[%get3A_1060, %get3A_1061] {strides = array<i32>} : memref<256x64xbf16, #tpu.memory_space<vmem>>, vector<2x16xbf16>,
      %get3A_1063 = vector.shape_cast %get3A_1062 : vector<2x16xbf16> to vector<2x16xbf16>
      %max3A_1064 = arith.maximumf %get3A_1059, %get3A_1063 : vector<2x16xbf16>
      %get3A_1065 = arith.index_cast %mul3A_144 : i32 to index
      %get3A_1066 = arith.constant 48 : index
      %get3A_1067 = tpu.vector_load %arg5[%get3A_1065, %get3A_1066] {strides = array<i32>} : memref<256x64xbf16, #tpu.memory_space<vmem>>, vector<2x16xbf16>,
      %get3A_1068 = vector.shape_cast %get3A_1067 : vector<2x16xbf16> to vector<2x16xbf16>
      %max3A_1069 = arith.maximumf %max3A_1064, %get3A_1068 : vector<2x16xbf16>
      %get3A_1070 = arith.index_cast %mul3A_152 : i32 to index
      %get3A_1071 = arith.constant 48 : index
      %get3A_1072 = tpu.vector_load %arg5[%get3A_1070, %get3A_1071] {strides = array<i32>} : memref<256x64xbf16, #tpu.memory_space<vmem>>, vector<2x16xbf16>,
      %get3A_1073 = vector.shape_cast %get3A_1072 : vector<2x16xbf16> to vector<2x16xbf16>
      %max3A_1074 = arith.maximumf %max3A_1069, %get3A_1073 : vector<2x16xbf16>
      %get3A_1075 = arith.index_cast %mul3A_160 : i32 to index
      %get3A_1076 = arith.constant 48 : index
      %get3A_1077 = tpu.vector_load %arg5[%get3A_1075, %get3A_1076] {strides = array<i32>} : memref<256x64xbf16, #tpu.memory_space<vmem>>, vector<2x16xbf16>,
      %get3A_1078 = vector.shape_cast %get3A_1077 : vector<2x16xbf16> to vector<2x16xbf16>
      %max3A_1079 = arith.maximumf %max3A_1074, %get3A_1078 : vector<2x16xbf16>
      %get3A_1080 = arith.index_cast %mul3A_168 : i32 to index
      %get3A_1081 = arith.constant 48 : index
      %get3A_1082 = tpu.vector_load %arg5[%get3A_1080, %get3A_1081] {strides = array<i32>} : memref<256x64xbf16, #tpu.memory_space<vmem>>, vector<2x16xbf16>,
      %get3A_1083 = vector.shape_cast %get3A_1082 : vector<2x16xbf16> to vector<2x16xbf16>
      %max3A_1084 = arith.maximumf %max3A_1079, %get3A_1083 : vector<2x16xbf16>
      %get3A_1085 = arith.index_cast %mul3A_176 : i32 to index
      %get3A_1086 = arith.constant 48 : index
      %get3A_1087 = tpu.vector_load %arg5[%get3A_1085, %get3A_1086] {strides = array<i32>} : memref<256x64xbf16, #tpu.memory_space<vmem>>, vector<2x16xbf16>,
      %get3A_1088 = vector.shape_cast %get3A_1087 : vector<2x16xbf16> to vector<2x16xbf16>
      %max3A_1089 = arith.maximumf %max3A_1084, %get3A_1088 : vector<2x16xbf16>
      %get3A_1090 = arith.index_cast %mul3A_184 : i32 to index
      %get3A_1091 = arith.constant 48 : index
      %get3A_1092 = tpu.vector_load %arg5[%get3A_1090, %get3A_1091] {strides = array<i32>} : memref<256x64xbf16, #tpu.memory_space<vmem>>, vector<2x16xbf16>,
      %get3A_1093 = vector.shape_cast %get3A_1092 : vector<2x16xbf16> to vector<2x16xbf16>
      %max3A_1094 = arith.maximumf %max3A_1089, %get3A_1093 : vector<2x16xbf16>
      %get3A_1095 = arith.index_cast %mul3A_192 : i32 to index
      %get3A_1096 = arith.constant 48 : index
      %get3A_1097 = tpu.vector_load %arg5[%get3A_1095, %get3A_1096] {strides = array<i32>} : memref<256x64xbf16, #tpu.memory_space<vmem>>, vector<2x16xbf16>,
      %get3A_1098 = vector.shape_cast %get3A_1097 : vector<2x16xbf16> to vector<2x16xbf16>
      %max3A_1099 = arith.maximumf %max3A_1094, %get3A_1098 : vector<2x16xbf16>
      %get3A_1100 = arith.index_cast %mul3A_200 : i32 to index
      %get3A_1101 = arith.constant 48 : index
      %get3A_1102 = tpu.vector_load %arg5[%get3A_1100, %get3A_1101] {strides = array<i32>} : memref<256x64xbf16, #tpu.memory_space<vmem>>, vector<2x16xbf16>,
      %get3A_1103 = vector.shape_cast %get3A_1102 : vector<2x16xbf16> to vector<2x16xbf16>
      %max3A_1104 = arith.maximumf %max3A_1099, %get3A_1103 : vector<2x16xbf16>
      %get3A_1105 = arith.index_cast %mul3A_208 : i32 to index
      %get3A_1106 = arith.constant 48 : index
      %get3A_1107 = tpu.vector_load %arg5[%get3A_1105, %get3A_1106] {strides = array<i32>} : memref<256x64xbf16, #tpu.memory_space<vmem>>, vector<2x16xbf16>,
      %get3A_1108 = vector.shape_cast %get3A_1107 : vector<2x16xbf16> to vector<2x16xbf16>
      %max3A_1109 = arith.maximumf %max3A_1104, %get3A_1108 : vector<2x16xbf16>
      %get3A_1110 = arith.index_cast %mul3A_216 : i32 to index
      %get3A_1111 = arith.constant 48 : index
      %get3A_1112 = tpu.vector_load %arg5[%get3A_1110, %get3A_1111] {strides = array<i32>} : memref<256x64xbf16, #tpu.memory_space<vmem>>, vector<2x16xbf16>,
      %get3A_1113 = vector.shape_cast %get3A_1112 : vector<2x16xbf16> to vector<2x16xbf16>
      %max3A_1114 = arith.maximumf %max3A_1109, %get3A_1113 : vector<2x16xbf16>
      %get3A_1115 = arith.index_cast %mul3A_130 : i32 to index
      %get3A_1116 = arith.constant 48 : index
      %get3A_1117 = tpu.vector_load %arg5[%get3A_1115, %get3A_1116] {strides = array<i32>} : memref<256x64xbf16, #tpu.memory_space<vmem>>, vector<2x16xbf16>,
      %get3A_1118 = vector.shape_cast %get3A_1117 : vector<2x16xbf16> to vector<2x16xbf16>
      %get3A_1119 = arith.index_cast %mul3A_138 : i32 to index
      %get3A_1120 = arith.constant 48 : index
      %get3A_1121 = tpu.vector_load %arg5[%get3A_1119, %get3A_1120] {strides = array<i32>} : memref<256x64xbf16, #tpu.memory_space<vmem>>, vector<2x16xbf16>,
      %get3A_1122 = vector.shape_cast %get3A_1121 : vector<2x16xbf16> to vector<2x16xbf16>
      %max3A_1123 = arith.maximumf %get3A_1118, %get3A_1122 : vector<2x16xbf16>
      %get3A_1124 = arith.index_cast %mul3A_146 : i32 to index
      %get3A_1125 = arith.constant 48 : index
      %get3A_1126 = tpu.vector_load %arg5[%get3A_1124, %get3A_1125] {strides = array<i32>} : memref<256x64xbf16, #tpu.memory_space<vmem>>, vector<2x16xbf16>,
      %get3A_1127 = vector.shape_cast %get3A_1126 : vector<2x16xbf16> to vector<2x16xbf16>
      %max3A_1128 = arith.maximumf %max3A_1123, %get3A_1127 : vector<2x16xbf16>
      %get3A_1129 = arith.index_cast %mul3A_154 : i32 to index
      %get3A_1130 = arith.constant 48 : index
      %get3A_1131 = tpu.vector_load %arg5[%get3A_1129, %get3A_1130] {strides = array<i32>} : memref<256x64xbf16, #tpu.memory_space<vmem>>, vector<2x16xbf16>,
      %get3A_1132 = vector.shape_cast %get3A_1131 : vector<2x16xbf16> to vector<2x16xbf16>
      %max3A_1133 = arith.maximumf %max3A_1128, %get3A_1132 : vector<2x16xbf16>
      %get3A_1134 = arith.index_cast %mul3A_162 : i32 to index
      %get3A_1135 = arith.constant 48 : index
      %get3A_1136 = tpu.vector_load %arg5[%get3A_1134, %get3A_1135] {strides = array<i32>} : memref<256x64xbf16, #tpu.memory_space<vmem>>, vector<2x16xbf16>,
      %get3A_1137 = vector.shape_cast %get3A_1136 : vector<2x16xbf16> to vector<2x16xbf16>
      %max3A_1138 = arith.maximumf %max3A_1133, %get3A_1137 : vector<2x16xbf16>
      %get3A_1139 = arith.index_cast %mul3A_170 : i32 to index
      %get3A_1140 = arith.constant 48 : index
      %get3A_1141 = tpu.vector_load %arg5[%get3A_1139, %get3A_1140] {strides = array<i32>} : memref<256x64xbf16, #tpu.memory_space<vmem>>, vector<2x16xbf16>,
      %get3A_1142 = vector.shape_cast %get3A_1141 : vector<2x16xbf16> to vector<2x16xbf16>
      %max3A_1143 = arith.maximumf %max3A_1138, %get3A_1142 : vector<2x16xbf16>
      %get3A_1144 = arith.index_cast %mul3A_178 : i32 to index
      %get3A_1145 = arith.constant 48 : index
      %get3A_1146 = tpu.vector_load %arg5[%get3A_1144, %get3A_1145] {strides = array<i32>} : memref<256x64xbf16, #tpu.memory_space<vmem>>, vector<2x16xbf16>,
      %get3A_1147 = vector.shape_cast %get3A_1146 : vector<2x16xbf16> to vector<2x16xbf16>
      %max3A_1148 = arith.maximumf %max3A_1143, %get3A_1147 : vector<2x16xbf16>
      %get3A_1149 = arith.index_cast %mul3A_186 : i32 to index
      %get3A_1150 = arith.constant 48 : index
      %get3A_1151 = tpu.vector_load %arg5[%get3A_1149, %get3A_1150] {strides = array<i32>} : memref<256x64xbf16, #tpu.memory_space<vmem>>, vector<2x16xbf16>,
      %get3A_1152 = vector.shape_cast %get3A_1151 : vector<2x16xbf16> to vector<2x16xbf16>
      %max3A_1153 = arith.maximumf %max3A_1148, %get3A_1152 : vector<2x16xbf16>
      %get3A_1154 = arith.index_cast %mul3A_194 : i32 to index
      %get3A_1155 = arith.constant 48 : index
      %get3A_1156 = tpu.vector_load %arg5[%get3A_1154, %get3A_1155] {strides = array<i32>} : memref<256x64xbf16, #tpu.memory_space<vmem>>, vector<2x16xbf16>,
      %get3A_1157 = vector.shape_cast %get3A_1156 : vector<2x16xbf16> to vector<2x16xbf16>
      %max3A_1158 = arith.maximumf %max3A_1153, %get3A_1157 : vector<2x16xbf16>
      %get3A_1159 = arith.index_cast %mul3A_202 : i32 to index
      %get3A_1160 = arith.constant 48 : index
      %get3A_1161 = tpu.vector_load %arg5[%get3A_1159, %get3A_1160] {strides = array<i32>} : memref<256x64xbf16, #tpu.memory_space<vmem>>, vector<2x16xbf16>,
      %get3A_1162 = vector.shape_cast %get3A_1161 : vector<2x16xbf16> to vector<2x16xbf16>
      %max3A_1163 = arith.maximumf %max3A_1158, %get3A_1162 : vector<2x16xbf16>
      %get3A_1164 = arith.index_cast %mul3A_210 : i32 to index
      %get3A_1165 = arith.constant 48 : index
      %get3A_1166 = tpu.vector_load %arg5[%get3A_1164, %get3A_1165] {strides = array<i32>} : memref<256x64xbf16, #tpu.memory_space<vmem>>, vector<2x16xbf16>,
      %get3A_1167 = vector.shape_cast %get3A_1166 : vector<2x16xbf16> to vector<2x16xbf16>
      %max3A_1168 = arith.maximumf %max3A_1163, %get3A_1167 : vector<2x16xbf16>
      %max3A_1169 = arith.maximumf %max3A_996, %max3A_1055 : vector<2x16xbf16>
      %max3A_1170 = arith.maximumf %max3A_1114, %max3A_1168 : vector<2x16xbf16>
      %max3A_1171 = arith.maximumf %max3A_1169, %max3A_1170 : vector<2x16xbf16>
      %mul3A_1172 = arith.constant 2 : i32
      %mul3A_1173 = arith.muli %scan3A_12, %mul3A_1172 : i32
      %swap3A_1174 = arith.index_cast %mul3A_1173 : i32 to index
      %swap3A_1175 = arith.constant 48 : index
      %swap3A_1176 = tpu.vector_load %arg7[%swap3A_1174, %swap3A_1175] {strides = array<i32>} : memref<704x64xbf16, #tpu.memory_space<vmem>>, vector<2x16xbf16>,
      %swap3A_1177 = vector.shape_cast %swap3A_1176 : vector<2x16xbf16> to vector<2x16xbf16>
      %swap3A_1178 = vector.shape_cast %max3A_1171 : vector<2x16xbf16> to vector<2x16xbf16>
      tpu.vector_store %arg7[%swap3A_1174, %swap3A_1175], %swap3A_1178 {strides = array<i32>} : memref<704x64xbf16, #tpu.memory_space<vmem>>, vector<2x16xbf16>,
    }
    %scan3A_9 = arith.constant 352 : i32
    %mul3A_10 = arith.constant 2 : i32
    %mul3A_11 = arith.muli %mul3A_2, %mul3A_10 : i32
    "tpu.region"() ({
      %run_scoped3A = tpu.sem_alloc : memref<!tpu.dma_semaphore, #tpu.memory_space<semaphore_mem>>
      %dma_start3A = arith.constant 0 : i32
      %dma_start3A_12 = tpu.memref_slice %arg4[%mul3A_11, %dma_start3A] : memref<22528x64xbf16, #tpu.memory_space<hbm>> -> memref<704x64xbf16, #tpu.memory_space<hbm>>
      %dma_start3A_13 = arith.constant 0 : i32
      %dma_start3A_14 = tpu.memref_slice %arg4[%mul3A_11, %dma_start3A_13] : memref<22528x64xbf16, #tpu.memory_space<hbm>> -> memref<704x64xbf16, #tpu.memory_space<hbm>>
      tpu.enqueue_dma source(%arg7 : memref<704x64xbf16, #tpu.memory_space<vmem>>) target(%dma_start3A_14 : memref<704x64xbf16, #tpu.memory_space<hbm>>) target_semaphore(%run_scoped3A : memref<!tpu.dma_semaphore, #tpu.memory_space<semaphore_mem>>)
      %dma_wait3A = arith.constant 0 : i32
      %dma_wait3A_15 = tpu.memref_slice %arg4[%mul3A_11, %dma_wait3A] : memref<22528x64xbf16, #tpu.memory_space<hbm>> -> memref<704x64xbf16, #tpu.memory_space<hbm>>
      %dma_wait3A_16 = arith.constant 0 : i32
      %dma_wait3A_17 = tpu.memref_slice %arg4[%mul3A_11, %dma_wait3A_16] : memref<22528x64xbf16, #tpu.memory_space<hbm>> -> memref<704x64xbf16, #tpu.memory_space<hbm>>
      tpu.wait_dma2 semaphore(%run_scoped3A : memref<!tpu.dma_semaphore, #tpu.memory_space<semaphore_mem>>) src(%arg7 : memref<704x64xbf16, #tpu.memory_space<vmem>>) dst(%dma_wait3A_17 : memref<704x64xbf16, #tpu.memory_space<hbm>>)
      tpu.yield
    }) : () -> ()
    return
  }
}

module attributes {stable_mosaic.version = 14 : i64} {
  func.func @_cont_body(%arg0: i32, %arg1: memref<256x47xi32, #tpu.memory_space<vmem>>, %arg2: memref<47x128xf32, #tpu.memory_space<vmem>>, %arg3: memref<1x128xf32, #tpu.memory_space<vmem>>, %arg4: memref<256x128xf32, #tpu.memory_space<vmem>>) attributes {dimension_semantics = [#tpu.dimension_semantics<arbitrary>], iteration_bounds = array<i64: 64>, scalar_prefetch = 0 : i64, scratch_operands = 0 : i64, tpu.core_type = #tpu.core_type<tc>, window_params = [{transform_indices = @transform_0, window_bounds = array<i64: 256, 47>}, {pipeline_mode = #tpu.pipeline_mode<synchronous>, transform_indices = @transform_1, window_bounds = array<i64: 47, 128>}, {pipeline_mode = #tpu.pipeline_mode<synchronous>, transform_indices = @transform_2, window_bounds = array<i64: 1, 128>}, {transform_indices = @transform_3, window_bounds = array<i64: 256, 128>}]} {
    %get3A = arith.constant 0 : index
    %get3A_0 = arith.constant 0 : index
    %get3A_1 = vector.load %arg1[%get3A, %get3A_0] : memref<256x47xi32, #tpu.memory_space<vmem>>, vector<256x47xi32>
    %iota3A = tpu.iota {dimensions = array<i32: 0>} : vector<256x47xi32>
    %mul3A = arith.constant 256 : i32
    %mul3A_2 = arith.muli %arg0, %mul3A : i32
    %add3A = vector.broadcast %mul3A_2 : i32 to vector<256x47xi32>
    %add3A_3 = arith.addi %iota3A, %add3A : vector<256x47xi32>
    %add3A_4 = arith.constant 0 : i32
    %add3A_5 = vector.broadcast %add3A_4 : i32 to vector<256x47xi32>
    %add3A_6 = arith.addi %add3A_3, %add3A_5 : vector<256x47xi32>
    %ge3A = arith.constant 16382 : i32
    %ge3A_7 = vector.broadcast %ge3A : i32 to vector<256x47xi32>
    %ge3A_8 = arith.cmpi sge, %add3A_6, %ge3A_7 : vector<256x47xi32>
    %jit3A = arith.constant 10 : i32
    %div3A = vector.broadcast %jit3A : i32 to vector<256x47xi32>
    %div3A_9 = arith.divsi %get3A_1, %div3A : vector<256x47xi32>
    %sign3A = arith.constant 0 : i32
    %sign3A_10 = vector.broadcast %sign3A : i32 to vector<256x47xi32>
    %sign3A_11 = arith.cmpi sgt, %get3A_1, %sign3A_10 : vector<256x47xi32>
    %sign3A_12 = arith.extui %sign3A_11 : vector<256x47xi1> to vector<256x47xi32>
    %sign3A_13 = arith.constant 0 : i32
    %sign3A_14 = vector.broadcast %sign3A_13 : i32 to vector<256x47xi32>
    %sign3A_15 = arith.cmpi slt, %get3A_1, %sign3A_14 : vector<256x47xi32>
    %sign3A_16 = arith.extui %sign3A_15 : vector<256x47xi1> to vector<256x47xi32>
    %sign3A_17 = arith.subi %sign3A_12, %sign3A_16 : vector<256x47xi32>
    %sign3A_18 = arith.constant 0 : i32
    %sign3A_19 = arith.cmpi sgt, %jit3A, %sign3A_18 : i32
    %sign3A_20 = arith.extui %sign3A_19 : i1 to i32
    %sign3A_21 = arith.constant 0 : i32
    %sign3A_22 = arith.cmpi slt, %jit3A, %sign3A_21 : i32
    %sign3A_23 = arith.extui %sign3A_22 : i1 to i32
    %sign3A_24 = arith.subi %sign3A_20, %sign3A_23 : i32
    %ne3A = vector.broadcast %sign3A_24 : i32 to vector<256x47xi32>
    %ne3A_25 = arith.cmpi ne, %sign3A_17, %ne3A : vector<256x47xi32>
    %rem3A = vector.broadcast %jit3A : i32 to vector<256x47xi32>
    %rem3A_26 = arith.remsi %get3A_1, %rem3A : vector<256x47xi32>
    %ne3A_27 = arith.constant 0 : i32
    %ne3A_28 = vector.broadcast %ne3A_27 : i32 to vector<256x47xi32>
    %ne3A_29 = arith.cmpi ne, %rem3A_26, %ne3A_28 : vector<256x47xi32>
    %and3A = arith.andi %ne3A_25, %ne3A_29 : vector<256x47xi1>
    %sub3A = arith.constant 1 : i32
    %sub3A_30 = vector.broadcast %sub3A : i32 to vector<256x47xi32>
    %sub3A_31 = arith.subi %div3A_9, %sub3A_30 : vector<256x47xi32>
    %select_n3A = arith.select %and3A, %sub3A_31, %div3A_9 : vector<256x47xi1>, vector<256x47xi32>
    %select_n3A_32 = arith.select %ge3A_8, %select_n3A, %get3A_1 : vector<256x47xi1>, vector<256x47xi32>
    %convert_element_type3A = arith.sitofp %select_n3A_32 : vector<256x47xi32> to vector<256x47xf32>
    %div3A_33 = arith.constant 9.900000e+01 : f32
    %div3A_34 = vector.broadcast %div3A_33 : f32 to vector<256x47xf32>
    %div3A_35 = arith.divf %convert_element_type3A, %div3A_34 : vector<256x47xf32>
    %get3A_36 = arith.constant 0 : index
    %get3A_37 = arith.constant 0 : index
    %get3A_38 = vector.load %arg2[%get3A_36, %get3A_37] : memref<47x128xf32, #tpu.memory_space<vmem>>, vector<47x128xf32>
    %dot_general3A = arith.constant dense<0.000000e+00> : vector<256x128xf32>
    %dot_general3A_39 = tpu.matmul %div3A_35, %get3A_38, %dot_general3A {dimension_numbers = #tpu.dot_dimension_numbers<[1], [0], [0], [1], [0, 0, 1, 1], [], []>, transpose_lhs_hint = false} : vector<256x47xf32>, vector<47x128xf32>, vector<256x128xf32> -> vector<256x128xf32>
    %get3A_40 = arith.constant 0 : index
    %get3A_41 = arith.constant 0 : index
    %get3A_42 = vector.load %arg3[%get3A_40, %get3A_41] : memref<1x128xf32, #tpu.memory_space<vmem>>, vector<1x128xf32>
    %add3A_43 = vector.broadcast %get3A_42 : vector<1x128xf32> to vector<256x128xf32>
    %add3A_44 = arith.addf %dot_general3A_39, %add3A_43 : vector<256x128xf32>
    %swap3A = arith.constant 0 : index
    %swap3A_45 = arith.constant 0 : index
    %swap3A_46 = vector.load %arg4[%swap3A, %swap3A_45] : memref<256x128xf32, #tpu.memory_space<vmem>>, vector<256x128xf32>
    tpu.vector_store %arg4[%swap3A, %swap3A_45], %add3A_44 {strides = array<i32>} : memref<256x128xf32, #tpu.memory_space<vmem>>, vector<256x128xf32>,
    return
  }
  func.func @transform_0(%arg0: i32) -> (i32, i32) {
    %c0_i32 = arith.constant 0 : i32
    %c0_i32_0 = arith.constant 0 : i32
    return %arg0, %c0_i32 : i32, i32
  }
  func.func @transform_1(%arg0: i32) -> (i32, i32) {
    %c0_i32 = arith.constant 0 : i32
    %c0_i32_0 = arith.constant 0 : i32
    %c0_i32_1 = arith.constant 0 : i32
    return %c0_i32, %c0_i32_0 : i32, i32
  }
  func.func @transform_2(%arg0: i32) -> (i32, i32) {
    %c0_i32 = arith.constant 0 : i32
    %c0_i32_0 = arith.constant 0 : i32
    %c0_i32_1 = arith.constant 0 : i32
    return %c0_i32, %c0_i32_0 : i32, i32
  }
  func.func @transform_3(%arg0: i32) -> (i32, i32) {
    %c0_i32 = arith.constant 0 : i32
    %c0_i32_0 = arith.constant 0 : i32
    return %arg0, %c0_i32 : i32, i32
  }
}

module attributes {stable_mosaic.version = 14 : i64} {
  func.func @_tail_body(%arg0: i32, %arg1: memref<256x47xi32, #tpu.memory_space<vmem>>, %arg2: memref<128x128xbf16, #tpu.memory_space<vmem>>, %arg3: memref<256x128xf32, #tpu.memory_space<vmem>>) attributes {dimension_semantics = [#tpu.dimension_semantics<arbitrary>], iteration_bounds = array<i64: 20>, scalar_prefetch = 0 : i64, scratch_operands = 0 : i64, tpu.core_type = #tpu.core_type<tc>, window_params = [{transform_indices = @transform_0, window_bounds = array<i64: 256, 47>}, {pipeline_mode = #tpu.pipeline_mode<synchronous>, transform_indices = @transform_1, window_bounds = array<i64: 128, 128>}, {transform_indices = @transform_2, window_bounds = array<i64: 256, 128>}]} {
    %get3A = arith.constant 0 : index
    %get3A_0 = arith.constant 0 : index
    %get3A_1 = vector.load %arg1[%get3A, %get3A_0] : memref<256x47xi32, #tpu.memory_space<vmem>>, vector<256x47xi32>
    %iota3A = tpu.iota {dimensions = array<i32: 0>} : vector<256x47xi32>
    %mul3A = arith.constant 256 : i32
    %mul3A_2 = arith.muli %arg0, %mul3A : i32
    %add3A = vector.broadcast %mul3A_2 : i32 to vector<256x47xi32>
    %add3A_3 = arith.addi %iota3A, %add3A : vector<256x47xi32>
    %add3A_4 = arith.constant 11264 : i32
    %add3A_5 = vector.broadcast %add3A_4 : i32 to vector<256x47xi32>
    %add3A_6 = arith.addi %add3A_3, %add3A_5 : vector<256x47xi32>
    %ge3A = arith.constant 16382 : i32
    %ge3A_7 = vector.broadcast %ge3A : i32 to vector<256x47xi32>
    %ge3A_8 = arith.cmpi sge, %add3A_6, %ge3A_7 : vector<256x47xi32>
    %jit3A = arith.constant 10 : i32
    %div3A = vector.broadcast %jit3A : i32 to vector<256x47xi32>
    %div3A_9 = arith.divsi %get3A_1, %div3A : vector<256x47xi32>
    %sign3A = arith.constant 0 : i32
    %sign3A_10 = vector.broadcast %sign3A : i32 to vector<256x47xi32>
    %sign3A_11 = arith.cmpi sgt, %get3A_1, %sign3A_10 : vector<256x47xi32>
    %sign3A_12 = arith.extui %sign3A_11 : vector<256x47xi1> to vector<256x47xi32>
    %sign3A_13 = arith.constant 0 : i32
    %sign3A_14 = vector.broadcast %sign3A_13 : i32 to vector<256x47xi32>
    %sign3A_15 = arith.cmpi slt, %get3A_1, %sign3A_14 : vector<256x47xi32>
    %sign3A_16 = arith.extui %sign3A_15 : vector<256x47xi1> to vector<256x47xi32>
    %sign3A_17 = arith.subi %sign3A_12, %sign3A_16 : vector<256x47xi32>
    %sign3A_18 = arith.constant 0 : i32
    %sign3A_19 = arith.cmpi sgt, %jit3A, %sign3A_18 : i32
    %sign3A_20 = arith.extui %sign3A_19 : i1 to i32
    %sign3A_21 = arith.constant 0 : i32
    %sign3A_22 = arith.cmpi slt, %jit3A, %sign3A_21 : i32
    %sign3A_23 = arith.extui %sign3A_22 : i1 to i32
    %sign3A_24 = arith.subi %sign3A_20, %sign3A_23 : i32
    %ne3A = vector.broadcast %sign3A_24 : i32 to vector<256x47xi32>
    %ne3A_25 = arith.cmpi ne, %sign3A_17, %ne3A : vector<256x47xi32>
    %rem3A = vector.broadcast %jit3A : i32 to vector<256x47xi32>
    %rem3A_26 = arith.remsi %get3A_1, %rem3A : vector<256x47xi32>
    %ne3A_27 = arith.constant 0 : i32
    %ne3A_28 = vector.broadcast %ne3A_27 : i32 to vector<256x47xi32>
    %ne3A_29 = arith.cmpi ne, %rem3A_26, %ne3A_28 : vector<256x47xi32>
    %and3A = arith.andi %ne3A_25, %ne3A_29 : vector<256x47xi1>
    %sub3A = arith.constant 1 : i32
    %sub3A_30 = vector.broadcast %sub3A : i32 to vector<256x47xi32>
    %sub3A_31 = arith.subi %div3A_9, %sub3A_30 : vector<256x47xi32>
    %select_n3A = arith.select %and3A, %sub3A_31, %div3A_9 : vector<256x47xi1>, vector<256x47xi32>
    %select_n3A_32 = arith.select %ge3A_8, %select_n3A, %get3A_1 : vector<256x47xi1>, vector<256x47xi32>
    %get3A_33 = arith.constant 0 : index
    %get3A_34 = arith.constant 0 : index
    %get3A_35 = vector.load %arg2[%get3A_33, %get3A_34] : memref<128x128xbf16, #tpu.memory_space<vmem>>, vector<128x128xbf16>
    %broadcast_in_dim3A = arith.constant 0xFF800000 : f32
    %broadcast_in_dim3A_36 = vector.broadcast %broadcast_in_dim3A : f32 to vector<256x128xf32>
    %slice3A = vector.extract_strided_slice %select_n3A_32 {offsets = [0, 0], sizes = [256, 1], strides = [1, 1]} : vector<256x47xi32> to vector<256x1xi32>
    %iota3A_37 = tpu.iota {dimensions = array<i32: 1>} : vector<256x128xi32>
    %eq3A = vector.broadcast %slice3A : vector<256x1xi32> to vector<256x128xi32>
    %eq3A_38 = arith.cmpi eq, %eq3A, %iota3A_37 : vector<256x128xi32>
    %convert_element_type3A = arith.extui %eq3A_38 : vector<256x128xi1> to vector<256x128xi32>
    %convert_element_type3A_39 = arith.sitofp %convert_element_type3A : vector<256x128xi32> to vector<256x128xf32>
    %convert_element_type3A_40 = arith.truncf %convert_element_type3A_39 : vector<256x128xf32> to vector<256x128xbf16>
    %dot_general3A = arith.constant dense<0.000000e+00> : vector<256x128xf32>
    %dot_general3A_41 = tpu.matmul %convert_element_type3A_40, %get3A_35, %dot_general3A {dimension_numbers = #tpu.dot_dimension_numbers<[1], [0], [0], [1], [0, 0, 1, 1], [], []>, transpose_lhs_hint = false} : vector<256x128xbf16>, vector<128x128xbf16>, vector<256x128xf32> -> vector<256x128xf32>
    %max3A = arith.maximumf %broadcast_in_dim3A_36, %dot_general3A_41 : vector<256x128xf32>
    %slice3A_42 = vector.extract_strided_slice %select_n3A_32 {offsets = [0, 1], sizes = [256, 1], strides = [1, 1]} : vector<256x47xi32> to vector<256x1xi32>
    %iota3A_43 = tpu.iota {dimensions = array<i32: 1>} : vector<256x128xi32>
    %eq3A_44 = vector.broadcast %slice3A_42 : vector<256x1xi32> to vector<256x128xi32>
    %eq3A_45 = arith.cmpi eq, %eq3A_44, %iota3A_43 : vector<256x128xi32>
    %convert_element_type3A_46 = arith.extui %eq3A_45 : vector<256x128xi1> to vector<256x128xi32>
    %convert_element_type3A_47 = arith.sitofp %convert_element_type3A_46 : vector<256x128xi32> to vector<256x128xf32>
    %convert_element_type3A_48 = arith.truncf %convert_element_type3A_47 : vector<256x128xf32> to vector<256x128xbf16>
    %dot_general3A_49 = arith.constant dense<0.000000e+00> : vector<256x128xf32>
    %dot_general3A_50 = tpu.matmul %convert_element_type3A_48, %get3A_35, %dot_general3A_49 {dimension_numbers = #tpu.dot_dimension_numbers<[1], [0], [0], [1], [0, 0, 1, 1], [], []>, transpose_lhs_hint = false} : vector<256x128xbf16>, vector<128x128xbf16>, vector<256x128xf32> -> vector<256x128xf32>
    %max3A_51 = arith.maximumf %max3A, %dot_general3A_50 : vector<256x128xf32>
    %slice3A_52 = vector.extract_strided_slice %select_n3A_32 {offsets = [0, 2], sizes = [256, 1], strides = [1, 1]} : vector<256x47xi32> to vector<256x1xi32>
    %iota3A_53 = tpu.iota {dimensions = array<i32: 1>} : vector<256x128xi32>
    %eq3A_54 = vector.broadcast %slice3A_52 : vector<256x1xi32> to vector<256x128xi32>
    %eq3A_55 = arith.cmpi eq, %eq3A_54, %iota3A_53 : vector<256x128xi32>
    %convert_element_type3A_56 = arith.extui %eq3A_55 : vector<256x128xi1> to vector<256x128xi32>
    %convert_element_type3A_57 = arith.sitofp %convert_element_type3A_56 : vector<256x128xi32> to vector<256x128xf32>
    %convert_element_type3A_58 = arith.truncf %convert_element_type3A_57 : vector<256x128xf32> to vector<256x128xbf16>
    %dot_general3A_59 = arith.constant dense<0.000000e+00> : vector<256x128xf32>
    %dot_general3A_60 = tpu.matmul %convert_element_type3A_58, %get3A_35, %dot_general3A_59 {dimension_numbers = #tpu.dot_dimension_numbers<[1], [0], [0], [1], [0, 0, 1, 1], [], []>, transpose_lhs_hint = false} : vector<256x128xbf16>, vector<128x128xbf16>, vector<256x128xf32> -> vector<256x128xf32>
    %max3A_61 = arith.maximumf %max3A_51, %dot_general3A_60 : vector<256x128xf32>
    %slice3A_62 = vector.extract_strided_slice %select_n3A_32 {offsets = [0, 3], sizes = [256, 1], strides = [1, 1]} : vector<256x47xi32> to vector<256x1xi32>
    %iota3A_63 = tpu.iota {dimensions = array<i32: 1>} : vector<256x128xi32>
    %eq3A_64 = vector.broadcast %slice3A_62 : vector<256x1xi32> to vector<256x128xi32>
    %eq3A_65 = arith.cmpi eq, %eq3A_64, %iota3A_63 : vector<256x128xi32>
    %convert_element_type3A_66 = arith.extui %eq3A_65 : vector<256x128xi1> to vector<256x128xi32>
    %convert_element_type3A_67 = arith.sitofp %convert_element_type3A_66 : vector<256x128xi32> to vector<256x128xf32>
    %convert_element_type3A_68 = arith.truncf %convert_element_type3A_67 : vector<256x128xf32> to vector<256x128xbf16>
    %dot_general3A_69 = arith.constant dense<0.000000e+00> : vector<256x128xf32>
    %dot_general3A_70 = tpu.matmul %convert_element_type3A_68, %get3A_35, %dot_general3A_69 {dimension_numbers = #tpu.dot_dimension_numbers<[1], [0], [0], [1], [0, 0, 1, 1], [], []>, transpose_lhs_hint = false} : vector<256x128xbf16>, vector<128x128xbf16>, vector<256x128xf32> -> vector<256x128xf32>
    %max3A_71 = arith.maximumf %max3A_61, %dot_general3A_70 : vector<256x128xf32>
    %slice3A_72 = vector.extract_strided_slice %select_n3A_32 {offsets = [0, 4], sizes = [256, 1], strides = [1, 1]} : vector<256x47xi32> to vector<256x1xi32>
    %iota3A_73 = tpu.iota {dimensions = array<i32: 1>} : vector<256x128xi32>
    %eq3A_74 = vector.broadcast %slice3A_72 : vector<256x1xi32> to vector<256x128xi32>
    %eq3A_75 = arith.cmpi eq, %eq3A_74, %iota3A_73 : vector<256x128xi32>
    %convert_element_type3A_76 = arith.extui %eq3A_75 : vector<256x128xi1> to vector<256x128xi32>
    %convert_element_type3A_77 = arith.sitofp %convert_element_type3A_76 : vector<256x128xi32> to vector<256x128xf32>
    %convert_element_type3A_78 = arith.truncf %convert_element_type3A_77 : vector<256x128xf32> to vector<256x128xbf16>
    %dot_general3A_79 = arith.constant dense<0.000000e+00> : vector<256x128xf32>
    %dot_general3A_80 = tpu.matmul %convert_element_type3A_78, %get3A_35, %dot_general3A_79 {dimension_numbers = #tpu.dot_dimension_numbers<[1], [0], [0], [1], [0, 0, 1, 1], [], []>, transpose_lhs_hint = false} : vector<256x128xbf16>, vector<128x128xbf16>, vector<256x128xf32> -> vector<256x128xf32>
    %max3A_81 = arith.maximumf %max3A_71, %dot_general3A_80 : vector<256x128xf32>
    %slice3A_82 = vector.extract_strided_slice %select_n3A_32 {offsets = [0, 5], sizes = [256, 1], strides = [1, 1]} : vector<256x47xi32> to vector<256x1xi32>
    %iota3A_83 = tpu.iota {dimensions = array<i32: 1>} : vector<256x128xi32>
    %eq3A_84 = vector.broadcast %slice3A_82 : vector<256x1xi32> to vector<256x128xi32>
    %eq3A_85 = arith.cmpi eq, %eq3A_84, %iota3A_83 : vector<256x128xi32>
    %convert_element_type3A_86 = arith.extui %eq3A_85 : vector<256x128xi1> to vector<256x128xi32>
    %convert_element_type3A_87 = arith.sitofp %convert_element_type3A_86 : vector<256x128xi32> to vector<256x128xf32>
    %convert_element_type3A_88 = arith.truncf %convert_element_type3A_87 : vector<256x128xf32> to vector<256x128xbf16>
    %dot_general3A_89 = arith.constant dense<0.000000e+00> : vector<256x128xf32>
    %dot_general3A_90 = tpu.matmul %convert_element_type3A_88, %get3A_35, %dot_general3A_89 {dimension_numbers = #tpu.dot_dimension_numbers<[1], [0], [0], [1], [0, 0, 1, 1], [], []>, transpose_lhs_hint = false} : vector<256x128xbf16>, vector<128x128xbf16>, vector<256x128xf32> -> vector<256x128xf32>
    %max3A_91 = arith.maximumf %max3A_81, %dot_general3A_90 : vector<256x128xf32>
    %slice3A_92 = vector.extract_strided_slice %select_n3A_32 {offsets = [0, 6], sizes = [256, 1], strides = [1, 1]} : vector<256x47xi32> to vector<256x1xi32>
    %iota3A_93 = tpu.iota {dimensions = array<i32: 1>} : vector<256x128xi32>
    %eq3A_94 = vector.broadcast %slice3A_92 : vector<256x1xi32> to vector<256x128xi32>
    %eq3A_95 = arith.cmpi eq, %eq3A_94, %iota3A_93 : vector<256x128xi32>
    %convert_element_type3A_96 = arith.extui %eq3A_95 : vector<256x128xi1> to vector<256x128xi32>
    %convert_element_type3A_97 = arith.sitofp %convert_element_type3A_96 : vector<256x128xi32> to vector<256x128xf32>
    %convert_element_type3A_98 = arith.truncf %convert_element_type3A_97 : vector<256x128xf32> to vector<256x128xbf16>
    %dot_general3A_99 = arith.constant dense<0.000000e+00> : vector<256x128xf32>
    %dot_general3A_100 = tpu.matmul %convert_element_type3A_98, %get3A_35, %dot_general3A_99 {dimension_numbers = #tpu.dot_dimension_numbers<[1], [0], [0], [1], [0, 0, 1, 1], [], []>, transpose_lhs_hint = false} : vector<256x128xbf16>, vector<128x128xbf16>, vector<256x128xf32> -> vector<256x128xf32>
    %max3A_101 = arith.maximumf %max3A_91, %dot_general3A_100 : vector<256x128xf32>
    %slice3A_102 = vector.extract_strided_slice %select_n3A_32 {offsets = [0, 7], sizes = [256, 1], strides = [1, 1]} : vector<256x47xi32> to vector<256x1xi32>
    %iota3A_103 = tpu.iota {dimensions = array<i32: 1>} : vector<256x128xi32>
    %eq3A_104 = vector.broadcast %slice3A_102 : vector<256x1xi32> to vector<256x128xi32>
    %eq3A_105 = arith.cmpi eq, %eq3A_104, %iota3A_103 : vector<256x128xi32>
    %convert_element_type3A_106 = arith.extui %eq3A_105 : vector<256x128xi1> to vector<256x128xi32>
    %convert_element_type3A_107 = arith.sitofp %convert_element_type3A_106 : vector<256x128xi32> to vector<256x128xf32>
    %convert_element_type3A_108 = arith.truncf %convert_element_type3A_107 : vector<256x128xf32> to vector<256x128xbf16>
    %dot_general3A_109 = arith.constant dense<0.000000e+00> : vector<256x128xf32>
    %dot_general3A_110 = tpu.matmul %convert_element_type3A_108, %get3A_35, %dot_general3A_109 {dimension_numbers = #tpu.dot_dimension_numbers<[1], [0], [0], [1], [0, 0, 1, 1], [], []>, transpose_lhs_hint = false} : vector<256x128xbf16>, vector<128x128xbf16>, vector<256x128xf32> -> vector<256x128xf32>
    %max3A_111 = arith.maximumf %max3A_101, %dot_general3A_110 : vector<256x128xf32>
    %slice3A_112 = vector.extract_strided_slice %select_n3A_32 {offsets = [0, 8], sizes = [256, 1], strides = [1, 1]} : vector<256x47xi32> to vector<256x1xi32>
    %iota3A_113 = tpu.iota {dimensions = array<i32: 1>} : vector<256x128xi32>
    %eq3A_114 = vector.broadcast %slice3A_112 : vector<256x1xi32> to vector<256x128xi32>
    %eq3A_115 = arith.cmpi eq, %eq3A_114, %iota3A_113 : vector<256x128xi32>
    %convert_element_type3A_116 = arith.extui %eq3A_115 : vector<256x128xi1> to vector<256x128xi32>
    %convert_element_type3A_117 = arith.sitofp %convert_element_type3A_116 : vector<256x128xi32> to vector<256x128xf32>
    %convert_element_type3A_118 = arith.truncf %convert_element_type3A_117 : vector<256x128xf32> to vector<256x128xbf16>
    %dot_general3A_119 = arith.constant dense<0.000000e+00> : vector<256x128xf32>
    %dot_general3A_120 = tpu.matmul %convert_element_type3A_118, %get3A_35, %dot_general3A_119 {dimension_numbers = #tpu.dot_dimension_numbers<[1], [0], [0], [1], [0, 0, 1, 1], [], []>, transpose_lhs_hint = false} : vector<256x128xbf16>, vector<128x128xbf16>, vector<256x128xf32> -> vector<256x128xf32>
    %max3A_121 = arith.maximumf %max3A_111, %dot_general3A_120 : vector<256x128xf32>
    %slice3A_122 = vector.extract_strided_slice %select_n3A_32 {offsets = [0, 9], sizes = [256, 1], strides = [1, 1]} : vector<256x47xi32> to vector<256x1xi32>
    %iota3A_123 = tpu.iota {dimensions = array<i32: 1>} : vector<256x128xi32>
    %eq3A_124 = vector.broadcast %slice3A_122 : vector<256x1xi32> to vector<256x128xi32>
    %eq3A_125 = arith.cmpi eq, %eq3A_124, %iota3A_123 : vector<256x128xi32>
    %convert_element_type3A_126 = arith.extui %eq3A_125 : vector<256x128xi1> to vector<256x128xi32>
    %convert_element_type3A_127 = arith.sitofp %convert_element_type3A_126 : vector<256x128xi32> to vector<256x128xf32>
    %convert_element_type3A_128 = arith.truncf %convert_element_type3A_127 : vector<256x128xf32> to vector<256x128xbf16>
    %dot_general3A_129 = arith.constant dense<0.000000e+00> : vector<256x128xf32>
    %dot_general3A_130 = tpu.matmul %convert_element_type3A_128, %get3A_35, %dot_general3A_129 {dimension_numbers = #tpu.dot_dimension_numbers<[1], [0], [0], [1], [0, 0, 1, 1], [], []>, transpose_lhs_hint = false} : vector<256x128xbf16>, vector<128x128xbf16>, vector<256x128xf32> -> vector<256x128xf32>
    %max3A_131 = arith.maximumf %max3A_121, %dot_general3A_130 : vector<256x128xf32>
    %slice3A_132 = vector.extract_strided_slice %select_n3A_32 {offsets = [0, 10], sizes = [256, 1], strides = [1, 1]} : vector<256x47xi32> to vector<256x1xi32>
    %iota3A_133 = tpu.iota {dimensions = array<i32: 1>} : vector<256x128xi32>
    %eq3A_134 = vector.broadcast %slice3A_132 : vector<256x1xi32> to vector<256x128xi32>
    %eq3A_135 = arith.cmpi eq, %eq3A_134, %iota3A_133 : vector<256x128xi32>
    %convert_element_type3A_136 = arith.extui %eq3A_135 : vector<256x128xi1> to vector<256x128xi32>
    %convert_element_type3A_137 = arith.sitofp %convert_element_type3A_136 : vector<256x128xi32> to vector<256x128xf32>
    %convert_element_type3A_138 = arith.truncf %convert_element_type3A_137 : vector<256x128xf32> to vector<256x128xbf16>
    %dot_general3A_139 = arith.constant dense<0.000000e+00> : vector<256x128xf32>
    %dot_general3A_140 = tpu.matmul %convert_element_type3A_138, %get3A_35, %dot_general3A_139 {dimension_numbers = #tpu.dot_dimension_numbers<[1], [0], [0], [1], [0, 0, 1, 1], [], []>, transpose_lhs_hint = false} : vector<256x128xbf16>, vector<128x128xbf16>, vector<256x128xf32> -> vector<256x128xf32>
    %max3A_141 = arith.maximumf %max3A_131, %dot_general3A_140 : vector<256x128xf32>
    %slice3A_142 = vector.extract_strided_slice %select_n3A_32 {offsets = [0, 11], sizes = [256, 1], strides = [1, 1]} : vector<256x47xi32> to vector<256x1xi32>
    %iota3A_143 = tpu.iota {dimensions = array<i32: 1>} : vector<256x128xi32>
    %eq3A_144 = vector.broadcast %slice3A_142 : vector<256x1xi32> to vector<256x128xi32>
    %eq3A_145 = arith.cmpi eq, %eq3A_144, %iota3A_143 : vector<256x128xi32>
    %convert_element_type3A_146 = arith.extui %eq3A_145 : vector<256x128xi1> to vector<256x128xi32>
    %convert_element_type3A_147 = arith.sitofp %convert_element_type3A_146 : vector<256x128xi32> to vector<256x128xf32>
    %convert_element_type3A_148 = arith.truncf %convert_element_type3A_147 : vector<256x128xf32> to vector<256x128xbf16>
    %dot_general3A_149 = arith.constant dense<0.000000e+00> : vector<256x128xf32>
    %dot_general3A_150 = tpu.matmul %convert_element_type3A_148, %get3A_35, %dot_general3A_149 {dimension_numbers = #tpu.dot_dimension_numbers<[1], [0], [0], [1], [0, 0, 1, 1], [], []>, transpose_lhs_hint = false} : vector<256x128xbf16>, vector<128x128xbf16>, vector<256x128xf32> -> vector<256x128xf32>
    %max3A_151 = arith.maximumf %max3A_141, %dot_general3A_150 : vector<256x128xf32>
    %slice3A_152 = vector.extract_strided_slice %select_n3A_32 {offsets = [0, 12], sizes = [256, 1], strides = [1, 1]} : vector<256x47xi32> to vector<256x1xi32>
    %iota3A_153 = tpu.iota {dimensions = array<i32: 1>} : vector<256x128xi32>
    %eq3A_154 = vector.broadcast %slice3A_152 : vector<256x1xi32> to vector<256x128xi32>
    %eq3A_155 = arith.cmpi eq, %eq3A_154, %iota3A_153 : vector<256x128xi32>
    %convert_element_type3A_156 = arith.extui %eq3A_155 : vector<256x128xi1> to vector<256x128xi32>
    %convert_element_type3A_157 = arith.sitofp %convert_element_type3A_156 : vector<256x128xi32> to vector<256x128xf32>
    %convert_element_type3A_158 = arith.truncf %convert_element_type3A_157 : vector<256x128xf32> to vector<256x128xbf16>
    %dot_general3A_159 = arith.constant dense<0.000000e+00> : vector<256x128xf32>
    %dot_general3A_160 = tpu.matmul %convert_element_type3A_158, %get3A_35, %dot_general3A_159 {dimension_numbers = #tpu.dot_dimension_numbers<[1], [0], [0], [1], [0, 0, 1, 1], [], []>, transpose_lhs_hint = false} : vector<256x128xbf16>, vector<128x128xbf16>, vector<256x128xf32> -> vector<256x128xf32>
    %max3A_161 = arith.maximumf %max3A_151, %dot_general3A_160 : vector<256x128xf32>
    %slice3A_162 = vector.extract_strided_slice %select_n3A_32 {offsets = [0, 13], sizes = [256, 1], strides = [1, 1]} : vector<256x47xi32> to vector<256x1xi32>
    %iota3A_163 = tpu.iota {dimensions = array<i32: 1>} : vector<256x128xi32>
    %eq3A_164 = vector.broadcast %slice3A_162 : vector<256x1xi32> to vector<256x128xi32>
    %eq3A_165 = arith.cmpi eq, %eq3A_164, %iota3A_163 : vector<256x128xi32>
    %convert_element_type3A_166 = arith.extui %eq3A_165 : vector<256x128xi1> to vector<256x128xi32>
    %convert_element_type3A_167 = arith.sitofp %convert_element_type3A_166 : vector<256x128xi32> to vector<256x128xf32>
    %convert_element_type3A_168 = arith.truncf %convert_element_type3A_167 : vector<256x128xf32> to vector<256x128xbf16>
    %dot_general3A_169 = arith.constant dense<0.000000e+00> : vector<256x128xf32>
    %dot_general3A_170 = tpu.matmul %convert_element_type3A_168, %get3A_35, %dot_general3A_169 {dimension_numbers = #tpu.dot_dimension_numbers<[1], [0], [0], [1], [0, 0, 1, 1], [], []>, transpose_lhs_hint = false} : vector<256x128xbf16>, vector<128x128xbf16>, vector<256x128xf32> -> vector<256x128xf32>
    %max3A_171 = arith.maximumf %max3A_161, %dot_general3A_170 : vector<256x128xf32>
    %slice3A_172 = vector.extract_strided_slice %select_n3A_32 {offsets = [0, 14], sizes = [256, 1], strides = [1, 1]} : vector<256x47xi32> to vector<256x1xi32>
    %iota3A_173 = tpu.iota {dimensions = array<i32: 1>} : vector<256x128xi32>
    %eq3A_174 = vector.broadcast %slice3A_172 : vector<256x1xi32> to vector<256x128xi32>
    %eq3A_175 = arith.cmpi eq, %eq3A_174, %iota3A_173 : vector<256x128xi32>
    %convert_element_type3A_176 = arith.extui %eq3A_175 : vector<256x128xi1> to vector<256x128xi32>
    %convert_element_type3A_177 = arith.sitofp %convert_element_type3A_176 : vector<256x128xi32> to vector<256x128xf32>
    %convert_element_type3A_178 = arith.truncf %convert_element_type3A_177 : vector<256x128xf32> to vector<256x128xbf16>
    %dot_general3A_179 = arith.constant dense<0.000000e+00> : vector<256x128xf32>
    %dot_general3A_180 = tpu.matmul %convert_element_type3A_178, %get3A_35, %dot_general3A_179 {dimension_numbers = #tpu.dot_dimension_numbers<[1], [0], [0], [1], [0, 0, 1, 1], [], []>, transpose_lhs_hint = false} : vector<256x128xbf16>, vector<128x128xbf16>, vector<256x128xf32> -> vector<256x128xf32>
    %max3A_181 = arith.maximumf %max3A_171, %dot_general3A_180 : vector<256x128xf32>
    %slice3A_182 = vector.extract_strided_slice %select_n3A_32 {offsets = [0, 15], sizes = [256, 1], strides = [1, 1]} : vector<256x47xi32> to vector<256x1xi32>
    %iota3A_183 = tpu.iota {dimensions = array<i32: 1>} : vector<256x128xi32>
    %eq3A_184 = vector.broadcast %slice3A_182 : vector<256x1xi32> to vector<256x128xi32>
    %eq3A_185 = arith.cmpi eq, %eq3A_184, %iota3A_183 : vector<256x128xi32>
    %convert_element_type3A_186 = arith.extui %eq3A_185 : vector<256x128xi1> to vector<256x128xi32>
    %convert_element_type3A_187 = arith.sitofp %convert_element_type3A_186 : vector<256x128xi32> to vector<256x128xf32>
    %convert_element_type3A_188 = arith.truncf %convert_element_type3A_187 : vector<256x128xf32> to vector<256x128xbf16>
    %dot_general3A_189 = arith.constant dense<0.000000e+00> : vector<256x128xf32>
    %dot_general3A_190 = tpu.matmul %convert_element_type3A_188, %get3A_35, %dot_general3A_189 {dimension_numbers = #tpu.dot_dimension_numbers<[1], [0], [0], [1], [0, 0, 1, 1], [], []>, transpose_lhs_hint = false} : vector<256x128xbf16>, vector<128x128xbf16>, vector<256x128xf32> -> vector<256x128xf32>
    %max3A_191 = arith.maximumf %max3A_181, %dot_general3A_190 : vector<256x128xf32>
    %slice3A_192 = vector.extract_strided_slice %select_n3A_32 {offsets = [0, 16], sizes = [256, 1], strides = [1, 1]} : vector<256x47xi32> to vector<256x1xi32>
    %iota3A_193 = tpu.iota {dimensions = array<i32: 1>} : vector<256x128xi32>
    %eq3A_194 = vector.broadcast %slice3A_192 : vector<256x1xi32> to vector<256x128xi32>
    %eq3A_195 = arith.cmpi eq, %eq3A_194, %iota3A_193 : vector<256x128xi32>
    %convert_element_type3A_196 = arith.extui %eq3A_195 : vector<256x128xi1> to vector<256x128xi32>
    %convert_element_type3A_197 = arith.sitofp %convert_element_type3A_196 : vector<256x128xi32> to vector<256x128xf32>
    %convert_element_type3A_198 = arith.truncf %convert_element_type3A_197 : vector<256x128xf32> to vector<256x128xbf16>
    %dot_general3A_199 = arith.constant dense<0.000000e+00> : vector<256x128xf32>
    %dot_general3A_200 = tpu.matmul %convert_element_type3A_198, %get3A_35, %dot_general3A_199 {dimension_numbers = #tpu.dot_dimension_numbers<[1], [0], [0], [1], [0, 0, 1, 1], [], []>, transpose_lhs_hint = false} : vector<256x128xbf16>, vector<128x128xbf16>, vector<256x128xf32> -> vector<256x128xf32>
    %max3A_201 = arith.maximumf %max3A_191, %dot_general3A_200 : vector<256x128xf32>
    %slice3A_202 = vector.extract_strided_slice %select_n3A_32 {offsets = [0, 17], sizes = [256, 1], strides = [1, 1]} : vector<256x47xi32> to vector<256x1xi32>
    %iota3A_203 = tpu.iota {dimensions = array<i32: 1>} : vector<256x128xi32>
    %eq3A_204 = vector.broadcast %slice3A_202 : vector<256x1xi32> to vector<256x128xi32>
    %eq3A_205 = arith.cmpi eq, %eq3A_204, %iota3A_203 : vector<256x128xi32>
    %convert_element_type3A_206 = arith.extui %eq3A_205 : vector<256x128xi1> to vector<256x128xi32>
    %convert_element_type3A_207 = arith.sitofp %convert_element_type3A_206 : vector<256x128xi32> to vector<256x128xf32>
    %convert_element_type3A_208 = arith.truncf %convert_element_type3A_207 : vector<256x128xf32> to vector<256x128xbf16>
    %dot_general3A_209 = arith.constant dense<0.000000e+00> : vector<256x128xf32>
    %dot_general3A_210 = tpu.matmul %convert_element_type3A_208, %get3A_35, %dot_general3A_209 {dimension_numbers = #tpu.dot_dimension_numbers<[1], [0], [0], [1], [0, 0, 1, 1], [], []>, transpose_lhs_hint = false} : vector<256x128xbf16>, vector<128x128xbf16>, vector<256x128xf32> -> vector<256x128xf32>
    %max3A_211 = arith.maximumf %max3A_201, %dot_general3A_210 : vector<256x128xf32>
    %slice3A_212 = vector.extract_strided_slice %select_n3A_32 {offsets = [0, 18], sizes = [256, 1], strides = [1, 1]} : vector<256x47xi32> to vector<256x1xi32>
    %iota3A_213 = tpu.iota {dimensions = array<i32: 1>} : vector<256x128xi32>
    %eq3A_214 = vector.broadcast %slice3A_212 : vector<256x1xi32> to vector<256x128xi32>
    %eq3A_215 = arith.cmpi eq, %eq3A_214, %iota3A_213 : vector<256x128xi32>
    %convert_element_type3A_216 = arith.extui %eq3A_215 : vector<256x128xi1> to vector<256x128xi32>
    %convert_element_type3A_217 = arith.sitofp %convert_element_type3A_216 : vector<256x128xi32> to vector<256x128xf32>
    %convert_element_type3A_218 = arith.truncf %convert_element_type3A_217 : vector<256x128xf32> to vector<256x128xbf16>
    %dot_general3A_219 = arith.constant dense<0.000000e+00> : vector<256x128xf32>
    %dot_general3A_220 = tpu.matmul %convert_element_type3A_218, %get3A_35, %dot_general3A_219 {dimension_numbers = #tpu.dot_dimension_numbers<[1], [0], [0], [1], [0, 0, 1, 1], [], []>, transpose_lhs_hint = false} : vector<256x128xbf16>, vector<128x128xbf16>, vector<256x128xf32> -> vector<256x128xf32>
    %max3A_221 = arith.maximumf %max3A_211, %dot_general3A_220 : vector<256x128xf32>
    %slice3A_222 = vector.extract_strided_slice %select_n3A_32 {offsets = [0, 19], sizes = [256, 1], strides = [1, 1]} : vector<256x47xi32> to vector<256x1xi32>
    %iota3A_223 = tpu.iota {dimensions = array<i32: 1>} : vector<256x128xi32>
    %eq3A_224 = vector.broadcast %slice3A_222 : vector<256x1xi32> to vector<256x128xi32>
    %eq3A_225 = arith.cmpi eq, %eq3A_224, %iota3A_223 : vector<256x128xi32>
    %convert_element_type3A_226 = arith.extui %eq3A_225 : vector<256x128xi1> to vector<256x128xi32>
    %convert_element_type3A_227 = arith.sitofp %convert_element_type3A_226 : vector<256x128xi32> to vector<256x128xf32>
    %convert_element_type3A_228 = arith.truncf %convert_element_type3A_227 : vector<256x128xf32> to vector<256x128xbf16>
    %dot_general3A_229 = arith.constant dense<0.000000e+00> : vector<256x128xf32>
    %dot_general3A_230 = tpu.matmul %convert_element_type3A_228, %get3A_35, %dot_general3A_229 {dimension_numbers = #tpu.dot_dimension_numbers<[1], [0], [0], [1], [0, 0, 1, 1], [], []>, transpose_lhs_hint = false} : vector<256x128xbf16>, vector<128x128xbf16>, vector<256x128xf32> -> vector<256x128xf32>
    %max3A_231 = arith.maximumf %max3A_221, %dot_general3A_230 : vector<256x128xf32>
    %slice3A_232 = vector.extract_strided_slice %select_n3A_32 {offsets = [0, 20], sizes = [256, 1], strides = [1, 1]} : vector<256x47xi32> to vector<256x1xi32>
    %iota3A_233 = tpu.iota {dimensions = array<i32: 1>} : vector<256x128xi32>
    %eq3A_234 = vector.broadcast %slice3A_232 : vector<256x1xi32> to vector<256x128xi32>
    %eq3A_235 = arith.cmpi eq, %eq3A_234, %iota3A_233 : vector<256x128xi32>
    %convert_element_type3A_236 = arith.extui %eq3A_235 : vector<256x128xi1> to vector<256x128xi32>
    %convert_element_type3A_237 = arith.sitofp %convert_element_type3A_236 : vector<256x128xi32> to vector<256x128xf32>
    %convert_element_type3A_238 = arith.truncf %convert_element_type3A_237 : vector<256x128xf32> to vector<256x128xbf16>
    %dot_general3A_239 = arith.constant dense<0.000000e+00> : vector<256x128xf32>
    %dot_general3A_240 = tpu.matmul %convert_element_type3A_238, %get3A_35, %dot_general3A_239 {dimension_numbers = #tpu.dot_dimension_numbers<[1], [0], [0], [1], [0, 0, 1, 1], [], []>, transpose_lhs_hint = false} : vector<256x128xbf16>, vector<128x128xbf16>, vector<256x128xf32> -> vector<256x128xf32>
    %max3A_241 = arith.maximumf %max3A_231, %dot_general3A_240 : vector<256x128xf32>
    %slice3A_242 = vector.extract_strided_slice %select_n3A_32 {offsets = [0, 21], sizes = [256, 1], strides = [1, 1]} : vector<256x47xi32> to vector<256x1xi32>
    %iota3A_243 = tpu.iota {dimensions = array<i32: 1>} : vector<256x128xi32>
    %eq3A_244 = vector.broadcast %slice3A_242 : vector<256x1xi32> to vector<256x128xi32>
    %eq3A_245 = arith.cmpi eq, %eq3A_244, %iota3A_243 : vector<256x128xi32>
    %convert_element_type3A_246 = arith.extui %eq3A_245 : vector<256x128xi1> to vector<256x128xi32>
    %convert_element_type3A_247 = arith.sitofp %convert_element_type3A_246 : vector<256x128xi32> to vector<256x128xf32>
    %convert_element_type3A_248 = arith.truncf %convert_element_type3A_247 : vector<256x128xf32> to vector<256x128xbf16>
    %dot_general3A_249 = arith.constant dense<0.000000e+00> : vector<256x128xf32>
    %dot_general3A_250 = tpu.matmul %convert_element_type3A_248, %get3A_35, %dot_general3A_249 {dimension_numbers = #tpu.dot_dimension_numbers<[1], [0], [0], [1], [0, 0, 1, 1], [], []>, transpose_lhs_hint = false} : vector<256x128xbf16>, vector<128x128xbf16>, vector<256x128xf32> -> vector<256x128xf32>
    %max3A_251 = arith.maximumf %max3A_241, %dot_general3A_250 : vector<256x128xf32>
    %slice3A_252 = vector.extract_strided_slice %select_n3A_32 {offsets = [0, 22], sizes = [256, 1], strides = [1, 1]} : vector<256x47xi32> to vector<256x1xi32>
    %iota3A_253 = tpu.iota {dimensions = array<i32: 1>} : vector<256x128xi32>
    %eq3A_254 = vector.broadcast %slice3A_252 : vector<256x1xi32> to vector<256x128xi32>
    %eq3A_255 = arith.cmpi eq, %eq3A_254, %iota3A_253 : vector<256x128xi32>
    %convert_element_type3A_256 = arith.extui %eq3A_255 : vector<256x128xi1> to vector<256x128xi32>
    %convert_element_type3A_257 = arith.sitofp %convert_element_type3A_256 : vector<256x128xi32> to vector<256x128xf32>
    %convert_element_type3A_258 = arith.truncf %convert_element_type3A_257 : vector<256x128xf32> to vector<256x128xbf16>
    %dot_general3A_259 = arith.constant dense<0.000000e+00> : vector<256x128xf32>
    %dot_general3A_260 = tpu.matmul %convert_element_type3A_258, %get3A_35, %dot_general3A_259 {dimension_numbers = #tpu.dot_dimension_numbers<[1], [0], [0], [1], [0, 0, 1, 1], [], []>, transpose_lhs_hint = false} : vector<256x128xbf16>, vector<128x128xbf16>, vector<256x128xf32> -> vector<256x128xf32>
    %max3A_261 = arith.maximumf %max3A_251, %dot_general3A_260 : vector<256x128xf32>
    %slice3A_262 = vector.extract_strided_slice %select_n3A_32 {offsets = [0, 23], sizes = [256, 1], strides = [1, 1]} : vector<256x47xi32> to vector<256x1xi32>
    %iota3A_263 = tpu.iota {dimensions = array<i32: 1>} : vector<256x128xi32>
    %eq3A_264 = vector.broadcast %slice3A_262 : vector<256x1xi32> to vector<256x128xi32>
    %eq3A_265 = arith.cmpi eq, %eq3A_264, %iota3A_263 : vector<256x128xi32>
    %convert_element_type3A_266 = arith.extui %eq3A_265 : vector<256x128xi1> to vector<256x128xi32>
    %convert_element_type3A_267 = arith.sitofp %convert_element_type3A_266 : vector<256x128xi32> to vector<256x128xf32>
    %convert_element_type3A_268 = arith.truncf %convert_element_type3A_267 : vector<256x128xf32> to vector<256x128xbf16>
    %dot_general3A_269 = arith.constant dense<0.000000e+00> : vector<256x128xf32>
    %dot_general3A_270 = tpu.matmul %convert_element_type3A_268, %get3A_35, %dot_general3A_269 {dimension_numbers = #tpu.dot_dimension_numbers<[1], [0], [0], [1], [0, 0, 1, 1], [], []>, transpose_lhs_hint = false} : vector<256x128xbf16>, vector<128x128xbf16>, vector<256x128xf32> -> vector<256x128xf32>
    %max3A_271 = arith.maximumf %max3A_261, %dot_general3A_270 : vector<256x128xf32>
    %slice3A_272 = vector.extract_strided_slice %select_n3A_32 {offsets = [0, 24], sizes = [256, 1], strides = [1, 1]} : vector<256x47xi32> to vector<256x1xi32>
    %iota3A_273 = tpu.iota {dimensions = array<i32: 1>} : vector<256x128xi32>
    %eq3A_274 = vector.broadcast %slice3A_272 : vector<256x1xi32> to vector<256x128xi32>
    %eq3A_275 = arith.cmpi eq, %eq3A_274, %iota3A_273 : vector<256x128xi32>
    %convert_element_type3A_276 = arith.extui %eq3A_275 : vector<256x128xi1> to vector<256x128xi32>
    %convert_element_type3A_277 = arith.sitofp %convert_element_type3A_276 : vector<256x128xi32> to vector<256x128xf32>
    %convert_element_type3A_278 = arith.truncf %convert_element_type3A_277 : vector<256x128xf32> to vector<256x128xbf16>
    %dot_general3A_279 = arith.constant dense<0.000000e+00> : vector<256x128xf32>
    %dot_general3A_280 = tpu.matmul %convert_element_type3A_278, %get3A_35, %dot_general3A_279 {dimension_numbers = #tpu.dot_dimension_numbers<[1], [0], [0], [1], [0, 0, 1, 1], [], []>, transpose_lhs_hint = false} : vector<256x128xbf16>, vector<128x128xbf16>, vector<256x128xf32> -> vector<256x128xf32>
    %max3A_281 = arith.maximumf %max3A_271, %dot_general3A_280 : vector<256x128xf32>
    %slice3A_282 = vector.extract_strided_slice %select_n3A_32 {offsets = [0, 25], sizes = [256, 1], strides = [1, 1]} : vector<256x47xi32> to vector<256x1xi32>
    %iota3A_283 = tpu.iota {dimensions = array<i32: 1>} : vector<256x128xi32>
    %eq3A_284 = vector.broadcast %slice3A_282 : vector<256x1xi32> to vector<256x128xi32>
    %eq3A_285 = arith.cmpi eq, %eq3A_284, %iota3A_283 : vector<256x128xi32>
    %convert_element_type3A_286 = arith.extui %eq3A_285 : vector<256x128xi1> to vector<256x128xi32>
    %convert_element_type3A_287 = arith.sitofp %convert_element_type3A_286 : vector<256x128xi32> to vector<256x128xf32>
    %convert_element_type3A_288 = arith.truncf %convert_element_type3A_287 : vector<256x128xf32> to vector<256x128xbf16>
    %dot_general3A_289 = arith.constant dense<0.000000e+00> : vector<256x128xf32>
    %dot_general3A_290 = tpu.matmul %convert_element_type3A_288, %get3A_35, %dot_general3A_289 {dimension_numbers = #tpu.dot_dimension_numbers<[1], [0], [0], [1], [0, 0, 1, 1], [], []>, transpose_lhs_hint = false} : vector<256x128xbf16>, vector<128x128xbf16>, vector<256x128xf32> -> vector<256x128xf32>
    %max3A_291 = arith.maximumf %max3A_281, %dot_general3A_290 : vector<256x128xf32>
    %slice3A_292 = vector.extract_strided_slice %select_n3A_32 {offsets = [0, 26], sizes = [256, 1], strides = [1, 1]} : vector<256x47xi32> to vector<256x1xi32>
    %iota3A_293 = tpu.iota {dimensions = array<i32: 1>} : vector<256x128xi32>
    %eq3A_294 = vector.broadcast %slice3A_292 : vector<256x1xi32> to vector<256x128xi32>
    %eq3A_295 = arith.cmpi eq, %eq3A_294, %iota3A_293 : vector<256x128xi32>
    %convert_element_type3A_296 = arith.extui %eq3A_295 : vector<256x128xi1> to vector<256x128xi32>
    %convert_element_type3A_297 = arith.sitofp %convert_element_type3A_296 : vector<256x128xi32> to vector<256x128xf32>
    %convert_element_type3A_298 = arith.truncf %convert_element_type3A_297 : vector<256x128xf32> to vector<256x128xbf16>
    %dot_general3A_299 = arith.constant dense<0.000000e+00> : vector<256x128xf32>
    %dot_general3A_300 = tpu.matmul %convert_element_type3A_298, %get3A_35, %dot_general3A_299 {dimension_numbers = #tpu.dot_dimension_numbers<[1], [0], [0], [1], [0, 0, 1, 1], [], []>, transpose_lhs_hint = false} : vector<256x128xbf16>, vector<128x128xbf16>, vector<256x128xf32> -> vector<256x128xf32>
    %max3A_301 = arith.maximumf %max3A_291, %dot_general3A_300 : vector<256x128xf32>
    %slice3A_302 = vector.extract_strided_slice %select_n3A_32 {offsets = [0, 27], sizes = [256, 1], strides = [1, 1]} : vector<256x47xi32> to vector<256x1xi32>
    %iota3A_303 = tpu.iota {dimensions = array<i32: 1>} : vector<256x128xi32>
    %eq3A_304 = vector.broadcast %slice3A_302 : vector<256x1xi32> to vector<256x128xi32>
    %eq3A_305 = arith.cmpi eq, %eq3A_304, %iota3A_303 : vector<256x128xi32>
    %convert_element_type3A_306 = arith.extui %eq3A_305 : vector<256x128xi1> to vector<256x128xi32>
    %convert_element_type3A_307 = arith.sitofp %convert_element_type3A_306 : vector<256x128xi32> to vector<256x128xf32>
    %convert_element_type3A_308 = arith.truncf %convert_element_type3A_307 : vector<256x128xf32> to vector<256x128xbf16>
    %dot_general3A_309 = arith.constant dense<0.000000e+00> : vector<256x128xf32>
    %dot_general3A_310 = tpu.matmul %convert_element_type3A_308, %get3A_35, %dot_general3A_309 {dimension_numbers = #tpu.dot_dimension_numbers<[1], [0], [0], [1], [0, 0, 1, 1], [], []>, transpose_lhs_hint = false} : vector<256x128xbf16>, vector<128x128xbf16>, vector<256x128xf32> -> vector<256x128xf32>
    %max3A_311 = arith.maximumf %max3A_301, %dot_general3A_310 : vector<256x128xf32>
    %slice3A_312 = vector.extract_strided_slice %select_n3A_32 {offsets = [0, 28], sizes = [256, 1], strides = [1, 1]} : vector<256x47xi32> to vector<256x1xi32>
    %iota3A_313 = tpu.iota {dimensions = array<i32: 1>} : vector<256x128xi32>
    %eq3A_314 = vector.broadcast %slice3A_312 : vector<256x1xi32> to vector<256x128xi32>
    %eq3A_315 = arith.cmpi eq, %eq3A_314, %iota3A_313 : vector<256x128xi32>
    %convert_element_type3A_316 = arith.extui %eq3A_315 : vector<256x128xi1> to vector<256x128xi32>
    %convert_element_type3A_317 = arith.sitofp %convert_element_type3A_316 : vector<256x128xi32> to vector<256x128xf32>
    %convert_element_type3A_318 = arith.truncf %convert_element_type3A_317 : vector<256x128xf32> to vector<256x128xbf16>
    %dot_general3A_319 = arith.constant dense<0.000000e+00> : vector<256x128xf32>
    %dot_general3A_320 = tpu.matmul %convert_element_type3A_318, %get3A_35, %dot_general3A_319 {dimension_numbers = #tpu.dot_dimension_numbers<[1], [0], [0], [1], [0, 0, 1, 1], [], []>, transpose_lhs_hint = false} : vector<256x128xbf16>, vector<128x128xbf16>, vector<256x128xf32> -> vector<256x128xf32>
    %max3A_321 = arith.maximumf %max3A_311, %dot_general3A_320 : vector<256x128xf32>
    %slice3A_322 = vector.extract_strided_slice %select_n3A_32 {offsets = [0, 29], sizes = [256, 1], strides = [1, 1]} : vector<256x47xi32> to vector<256x1xi32>
    %iota3A_323 = tpu.iota {dimensions = array<i32: 1>} : vector<256x128xi32>
    %eq3A_324 = vector.broadcast %slice3A_322 : vector<256x1xi32> to vector<256x128xi32>
    %eq3A_325 = arith.cmpi eq, %eq3A_324, %iota3A_323 : vector<256x128xi32>
    %convert_element_type3A_326 = arith.extui %eq3A_325 : vector<256x128xi1> to vector<256x128xi32>
    %convert_element_type3A_327 = arith.sitofp %convert_element_type3A_326 : vector<256x128xi32> to vector<256x128xf32>
    %convert_element_type3A_328 = arith.truncf %convert_element_type3A_327 : vector<256x128xf32> to vector<256x128xbf16>
    %dot_general3A_329 = arith.constant dense<0.000000e+00> : vector<256x128xf32>
    %dot_general3A_330 = tpu.matmul %convert_element_type3A_328, %get3A_35, %dot_general3A_329 {dimension_numbers = #tpu.dot_dimension_numbers<[1], [0], [0], [1], [0, 0, 1, 1], [], []>, transpose_lhs_hint = false} : vector<256x128xbf16>, vector<128x128xbf16>, vector<256x128xf32> -> vector<256x128xf32>
    %max3A_331 = arith.maximumf %max3A_321, %dot_general3A_330 : vector<256x128xf32>
    %slice3A_332 = vector.extract_strided_slice %select_n3A_32 {offsets = [0, 30], sizes = [256, 1], strides = [1, 1]} : vector<256x47xi32> to vector<256x1xi32>
    %iota3A_333 = tpu.iota {dimensions = array<i32: 1>} : vector<256x128xi32>
    %eq3A_334 = vector.broadcast %slice3A_332 : vector<256x1xi32> to vector<256x128xi32>
    %eq3A_335 = arith.cmpi eq, %eq3A_334, %iota3A_333 : vector<256x128xi32>
    %convert_element_type3A_336 = arith.extui %eq3A_335 : vector<256x128xi1> to vector<256x128xi32>
    %convert_element_type3A_337 = arith.sitofp %convert_element_type3A_336 : vector<256x128xi32> to vector<256x128xf32>
    %convert_element_type3A_338 = arith.truncf %convert_element_type3A_337 : vector<256x128xf32> to vector<256x128xbf16>
    %dot_general3A_339 = arith.constant dense<0.000000e+00> : vector<256x128xf32>
    %dot_general3A_340 = tpu.matmul %convert_element_type3A_338, %get3A_35, %dot_general3A_339 {dimension_numbers = #tpu.dot_dimension_numbers<[1], [0], [0], [1], [0, 0, 1, 1], [], []>, transpose_lhs_hint = false} : vector<256x128xbf16>, vector<128x128xbf16>, vector<256x128xf32> -> vector<256x128xf32>
    %max3A_341 = arith.maximumf %max3A_331, %dot_general3A_340 : vector<256x128xf32>
    %slice3A_342 = vector.extract_strided_slice %select_n3A_32 {offsets = [0, 31], sizes = [256, 1], strides = [1, 1]} : vector<256x47xi32> to vector<256x1xi32>
    %iota3A_343 = tpu.iota {dimensions = array<i32: 1>} : vector<256x128xi32>
    %eq3A_344 = vector.broadcast %slice3A_342 : vector<256x1xi32> to vector<256x128xi32>
    %eq3A_345 = arith.cmpi eq, %eq3A_344, %iota3A_343 : vector<256x128xi32>
    %convert_element_type3A_346 = arith.extui %eq3A_345 : vector<256x128xi1> to vector<256x128xi32>
    %convert_element_type3A_347 = arith.sitofp %convert_element_type3A_346 : vector<256x128xi32> to vector<256x128xf32>
    %convert_element_type3A_348 = arith.truncf %convert_element_type3A_347 : vector<256x128xf32> to vector<256x128xbf16>
    %dot_general3A_349 = arith.constant dense<0.000000e+00> : vector<256x128xf32>
    %dot_general3A_350 = tpu.matmul %convert_element_type3A_348, %get3A_35, %dot_general3A_349 {dimension_numbers = #tpu.dot_dimension_numbers<[1], [0], [0], [1], [0, 0, 1, 1], [], []>, transpose_lhs_hint = false} : vector<256x128xbf16>, vector<128x128xbf16>, vector<256x128xf32> -> vector<256x128xf32>
    %max3A_351 = arith.maximumf %max3A_341, %dot_general3A_350 : vector<256x128xf32>
    %slice3A_352 = vector.extract_strided_slice %select_n3A_32 {offsets = [0, 32], sizes = [256, 1], strides = [1, 1]} : vector<256x47xi32> to vector<256x1xi32>
    %iota3A_353 = tpu.iota {dimensions = array<i32: 1>} : vector<256x128xi32>
    %eq3A_354 = vector.broadcast %slice3A_352 : vector<256x1xi32> to vector<256x128xi32>
    %eq3A_355 = arith.cmpi eq, %eq3A_354, %iota3A_353 : vector<256x128xi32>
    %convert_element_type3A_356 = arith.extui %eq3A_355 : vector<256x128xi1> to vector<256x128xi32>
    %convert_element_type3A_357 = arith.sitofp %convert_element_type3A_356 : vector<256x128xi32> to vector<256x128xf32>
    %convert_element_type3A_358 = arith.truncf %convert_element_type3A_357 : vector<256x128xf32> to vector<256x128xbf16>
    %dot_general3A_359 = arith.constant dense<0.000000e+00> : vector<256x128xf32>
    %dot_general3A_360 = tpu.matmul %convert_element_type3A_358, %get3A_35, %dot_general3A_359 {dimension_numbers = #tpu.dot_dimension_numbers<[1], [0], [0], [1], [0, 0, 1, 1], [], []>, transpose_lhs_hint = false} : vector<256x128xbf16>, vector<128x128xbf16>, vector<256x128xf32> -> vector<256x128xf32>
    %max3A_361 = arith.maximumf %max3A_351, %dot_general3A_360 : vector<256x128xf32>
    %slice3A_362 = vector.extract_strided_slice %select_n3A_32 {offsets = [0, 33], sizes = [256, 1], strides = [1, 1]} : vector<256x47xi32> to vector<256x1xi32>
    %iota3A_363 = tpu.iota {dimensions = array<i32: 1>} : vector<256x128xi32>
    %eq3A_364 = vector.broadcast %slice3A_362 : vector<256x1xi32> to vector<256x128xi32>
    %eq3A_365 = arith.cmpi eq, %eq3A_364, %iota3A_363 : vector<256x128xi32>
    %convert_element_type3A_366 = arith.extui %eq3A_365 : vector<256x128xi1> to vector<256x128xi32>
    %convert_element_type3A_367 = arith.sitofp %convert_element_type3A_366 : vector<256x128xi32> to vector<256x128xf32>
    %convert_element_type3A_368 = arith.truncf %convert_element_type3A_367 : vector<256x128xf32> to vector<256x128xbf16>
    %dot_general3A_369 = arith.constant dense<0.000000e+00> : vector<256x128xf32>
    %dot_general3A_370 = tpu.matmul %convert_element_type3A_368, %get3A_35, %dot_general3A_369 {dimension_numbers = #tpu.dot_dimension_numbers<[1], [0], [0], [1], [0, 0, 1, 1], [], []>, transpose_lhs_hint = false} : vector<256x128xbf16>, vector<128x128xbf16>, vector<256x128xf32> -> vector<256x128xf32>
    %max3A_371 = arith.maximumf %max3A_361, %dot_general3A_370 : vector<256x128xf32>
    %slice3A_372 = vector.extract_strided_slice %select_n3A_32 {offsets = [0, 34], sizes = [256, 1], strides = [1, 1]} : vector<256x47xi32> to vector<256x1xi32>
    %iota3A_373 = tpu.iota {dimensions = array<i32: 1>} : vector<256x128xi32>
    %eq3A_374 = vector.broadcast %slice3A_372 : vector<256x1xi32> to vector<256x128xi32>
    %eq3A_375 = arith.cmpi eq, %eq3A_374, %iota3A_373 : vector<256x128xi32>
    %convert_element_type3A_376 = arith.extui %eq3A_375 : vector<256x128xi1> to vector<256x128xi32>
    %convert_element_type3A_377 = arith.sitofp %convert_element_type3A_376 : vector<256x128xi32> to vector<256x128xf32>
    %convert_element_type3A_378 = arith.truncf %convert_element_type3A_377 : vector<256x128xf32> to vector<256x128xbf16>
    %dot_general3A_379 = arith.constant dense<0.000000e+00> : vector<256x128xf32>
    %dot_general3A_380 = tpu.matmul %convert_element_type3A_378, %get3A_35, %dot_general3A_379 {dimension_numbers = #tpu.dot_dimension_numbers<[1], [0], [0], [1], [0, 0, 1, 1], [], []>, transpose_lhs_hint = false} : vector<256x128xbf16>, vector<128x128xbf16>, vector<256x128xf32> -> vector<256x128xf32>
    %max3A_381 = arith.maximumf %max3A_371, %dot_general3A_380 : vector<256x128xf32>
    %slice3A_382 = vector.extract_strided_slice %select_n3A_32 {offsets = [0, 35], sizes = [256, 1], strides = [1, 1]} : vector<256x47xi32> to vector<256x1xi32>
    %iota3A_383 = tpu.iota {dimensions = array<i32: 1>} : vector<256x128xi32>
    %eq3A_384 = vector.broadcast %slice3A_382 : vector<256x1xi32> to vector<256x128xi32>
    %eq3A_385 = arith.cmpi eq, %eq3A_384, %iota3A_383 : vector<256x128xi32>
    %convert_element_type3A_386 = arith.extui %eq3A_385 : vector<256x128xi1> to vector<256x128xi32>
    %convert_element_type3A_387 = arith.sitofp %convert_element_type3A_386 : vector<256x128xi32> to vector<256x128xf32>
    %convert_element_type3A_388 = arith.truncf %convert_element_type3A_387 : vector<256x128xf32> to vector<256x128xbf16>
    %dot_general3A_389 = arith.constant dense<0.000000e+00> : vector<256x128xf32>
    %dot_general3A_390 = tpu.matmul %convert_element_type3A_388, %get3A_35, %dot_general3A_389 {dimension_numbers = #tpu.dot_dimension_numbers<[1], [0], [0], [1], [0, 0, 1, 1], [], []>, transpose_lhs_hint = false} : vector<256x128xbf16>, vector<128x128xbf16>, vector<256x128xf32> -> vector<256x128xf32>
    %max3A_391 = arith.maximumf %max3A_381, %dot_general3A_390 : vector<256x128xf32>
    %slice3A_392 = vector.extract_strided_slice %select_n3A_32 {offsets = [0, 36], sizes = [256, 1], strides = [1, 1]} : vector<256x47xi32> to vector<256x1xi32>
    %iota3A_393 = tpu.iota {dimensions = array<i32: 1>} : vector<256x128xi32>
    %eq3A_394 = vector.broadcast %slice3A_392 : vector<256x1xi32> to vector<256x128xi32>
    %eq3A_395 = arith.cmpi eq, %eq3A_394, %iota3A_393 : vector<256x128xi32>
    %convert_element_type3A_396 = arith.extui %eq3A_395 : vector<256x128xi1> to vector<256x128xi32>
    %convert_element_type3A_397 = arith.sitofp %convert_element_type3A_396 : vector<256x128xi32> to vector<256x128xf32>
    %convert_element_type3A_398 = arith.truncf %convert_element_type3A_397 : vector<256x128xf32> to vector<256x128xbf16>
    %dot_general3A_399 = arith.constant dense<0.000000e+00> : vector<256x128xf32>
    %dot_general3A_400 = tpu.matmul %convert_element_type3A_398, %get3A_35, %dot_general3A_399 {dimension_numbers = #tpu.dot_dimension_numbers<[1], [0], [0], [1], [0, 0, 1, 1], [], []>, transpose_lhs_hint = false} : vector<256x128xbf16>, vector<128x128xbf16>, vector<256x128xf32> -> vector<256x128xf32>
    %max3A_401 = arith.maximumf %max3A_391, %dot_general3A_400 : vector<256x128xf32>
    %slice3A_402 = vector.extract_strided_slice %select_n3A_32 {offsets = [0, 37], sizes = [256, 1], strides = [1, 1]} : vector<256x47xi32> to vector<256x1xi32>
    %iota3A_403 = tpu.iota {dimensions = array<i32: 1>} : vector<256x128xi32>
    %eq3A_404 = vector.broadcast %slice3A_402 : vector<256x1xi32> to vector<256x128xi32>
    %eq3A_405 = arith.cmpi eq, %eq3A_404, %iota3A_403 : vector<256x128xi32>
    %convert_element_type3A_406 = arith.extui %eq3A_405 : vector<256x128xi1> to vector<256x128xi32>
    %convert_element_type3A_407 = arith.sitofp %convert_element_type3A_406 : vector<256x128xi32> to vector<256x128xf32>
    %convert_element_type3A_408 = arith.truncf %convert_element_type3A_407 : vector<256x128xf32> to vector<256x128xbf16>
    %dot_general3A_409 = arith.constant dense<0.000000e+00> : vector<256x128xf32>
    %dot_general3A_410 = tpu.matmul %convert_element_type3A_408, %get3A_35, %dot_general3A_409 {dimension_numbers = #tpu.dot_dimension_numbers<[1], [0], [0], [1], [0, 0, 1, 1], [], []>, transpose_lhs_hint = false} : vector<256x128xbf16>, vector<128x128xbf16>, vector<256x128xf32> -> vector<256x128xf32>
    %max3A_411 = arith.maximumf %max3A_401, %dot_general3A_410 : vector<256x128xf32>
    %slice3A_412 = vector.extract_strided_slice %select_n3A_32 {offsets = [0, 38], sizes = [256, 1], strides = [1, 1]} : vector<256x47xi32> to vector<256x1xi32>
    %iota3A_413 = tpu.iota {dimensions = array<i32: 1>} : vector<256x128xi32>
    %eq3A_414 = vector.broadcast %slice3A_412 : vector<256x1xi32> to vector<256x128xi32>
    %eq3A_415 = arith.cmpi eq, %eq3A_414, %iota3A_413 : vector<256x128xi32>
    %convert_element_type3A_416 = arith.extui %eq3A_415 : vector<256x128xi1> to vector<256x128xi32>
    %convert_element_type3A_417 = arith.sitofp %convert_element_type3A_416 : vector<256x128xi32> to vector<256x128xf32>
    %convert_element_type3A_418 = arith.truncf %convert_element_type3A_417 : vector<256x128xf32> to vector<256x128xbf16>
    %dot_general3A_419 = arith.constant dense<0.000000e+00> : vector<256x128xf32>
    %dot_general3A_420 = tpu.matmul %convert_element_type3A_418, %get3A_35, %dot_general3A_419 {dimension_numbers = #tpu.dot_dimension_numbers<[1], [0], [0], [1], [0, 0, 1, 1], [], []>, transpose_lhs_hint = false} : vector<256x128xbf16>, vector<128x128xbf16>, vector<256x128xf32> -> vector<256x128xf32>
    %max3A_421 = arith.maximumf %max3A_411, %dot_general3A_420 : vector<256x128xf32>
    %slice3A_422 = vector.extract_strided_slice %select_n3A_32 {offsets = [0, 39], sizes = [256, 1], strides = [1, 1]} : vector<256x47xi32> to vector<256x1xi32>
    %iota3A_423 = tpu.iota {dimensions = array<i32: 1>} : vector<256x128xi32>
    %eq3A_424 = vector.broadcast %slice3A_422 : vector<256x1xi32> to vector<256x128xi32>
    %eq3A_425 = arith.cmpi eq, %eq3A_424, %iota3A_423 : vector<256x128xi32>
    %convert_element_type3A_426 = arith.extui %eq3A_425 : vector<256x128xi1> to vector<256x128xi32>
    %convert_element_type3A_427 = arith.sitofp %convert_element_type3A_426 : vector<256x128xi32> to vector<256x128xf32>
    %convert_element_type3A_428 = arith.truncf %convert_element_type3A_427 : vector<256x128xf32> to vector<256x128xbf16>
    %dot_general3A_429 = arith.constant dense<0.000000e+00> : vector<256x128xf32>
    %dot_general3A_430 = tpu.matmul %convert_element_type3A_428, %get3A_35, %dot_general3A_429 {dimension_numbers = #tpu.dot_dimension_numbers<[1], [0], [0], [1], [0, 0, 1, 1], [], []>, transpose_lhs_hint = false} : vector<256x128xbf16>, vector<128x128xbf16>, vector<256x128xf32> -> vector<256x128xf32>
    %max3A_431 = arith.maximumf %max3A_421, %dot_general3A_430 : vector<256x128xf32>
    %slice3A_432 = vector.extract_strided_slice %select_n3A_32 {offsets = [0, 40], sizes = [256, 1], strides = [1, 1]} : vector<256x47xi32> to vector<256x1xi32>
    %iota3A_433 = tpu.iota {dimensions = array<i32: 1>} : vector<256x128xi32>
    %eq3A_434 = vector.broadcast %slice3A_432 : vector<256x1xi32> to vector<256x128xi32>
    %eq3A_435 = arith.cmpi eq, %eq3A_434, %iota3A_433 : vector<256x128xi32>
    %convert_element_type3A_436 = arith.extui %eq3A_435 : vector<256x128xi1> to vector<256x128xi32>
    %convert_element_type3A_437 = arith.sitofp %convert_element_type3A_436 : vector<256x128xi32> to vector<256x128xf32>
    %convert_element_type3A_438 = arith.truncf %convert_element_type3A_437 : vector<256x128xf32> to vector<256x128xbf16>
    %dot_general3A_439 = arith.constant dense<0.000000e+00> : vector<256x128xf32>
    %dot_general3A_440 = tpu.matmul %convert_element_type3A_438, %get3A_35, %dot_general3A_439 {dimension_numbers = #tpu.dot_dimension_numbers<[1], [0], [0], [1], [0, 0, 1, 1], [], []>, transpose_lhs_hint = false} : vector<256x128xbf16>, vector<128x128xbf16>, vector<256x128xf32> -> vector<256x128xf32>
    %max3A_441 = arith.maximumf %max3A_431, %dot_general3A_440 : vector<256x128xf32>
    %slice3A_442 = vector.extract_strided_slice %select_n3A_32 {offsets = [0, 41], sizes = [256, 1], strides = [1, 1]} : vector<256x47xi32> to vector<256x1xi32>
    %iota3A_443 = tpu.iota {dimensions = array<i32: 1>} : vector<256x128xi32>
    %eq3A_444 = vector.broadcast %slice3A_442 : vector<256x1xi32> to vector<256x128xi32>
    %eq3A_445 = arith.cmpi eq, %eq3A_444, %iota3A_443 : vector<256x128xi32>
    %convert_element_type3A_446 = arith.extui %eq3A_445 : vector<256x128xi1> to vector<256x128xi32>
    %convert_element_type3A_447 = arith.sitofp %convert_element_type3A_446 : vector<256x128xi32> to vector<256x128xf32>
    %convert_element_type3A_448 = arith.truncf %convert_element_type3A_447 : vector<256x128xf32> to vector<256x128xbf16>
    %dot_general3A_449 = arith.constant dense<0.000000e+00> : vector<256x128xf32>
    %dot_general3A_450 = tpu.matmul %convert_element_type3A_448, %get3A_35, %dot_general3A_449 {dimension_numbers = #tpu.dot_dimension_numbers<[1], [0], [0], [1], [0, 0, 1, 1], [], []>, transpose_lhs_hint = false} : vector<256x128xbf16>, vector<128x128xbf16>, vector<256x128xf32> -> vector<256x128xf32>
    %max3A_451 = arith.maximumf %max3A_441, %dot_general3A_450 : vector<256x128xf32>
    %slice3A_452 = vector.extract_strided_slice %select_n3A_32 {offsets = [0, 42], sizes = [256, 1], strides = [1, 1]} : vector<256x47xi32> to vector<256x1xi32>
    %iota3A_453 = tpu.iota {dimensions = array<i32: 1>} : vector<256x128xi32>
    %eq3A_454 = vector.broadcast %slice3A_452 : vector<256x1xi32> to vector<256x128xi32>
    %eq3A_455 = arith.cmpi eq, %eq3A_454, %iota3A_453 : vector<256x128xi32>
    %convert_element_type3A_456 = arith.extui %eq3A_455 : vector<256x128xi1> to vector<256x128xi32>
    %convert_element_type3A_457 = arith.sitofp %convert_element_type3A_456 : vector<256x128xi32> to vector<256x128xf32>
    %convert_element_type3A_458 = arith.truncf %convert_element_type3A_457 : vector<256x128xf32> to vector<256x128xbf16>
    %dot_general3A_459 = arith.constant dense<0.000000e+00> : vector<256x128xf32>
    %dot_general3A_460 = tpu.matmul %convert_element_type3A_458, %get3A_35, %dot_general3A_459 {dimension_numbers = #tpu.dot_dimension_numbers<[1], [0], [0], [1], [0, 0, 1, 1], [], []>, transpose_lhs_hint = false} : vector<256x128xbf16>, vector<128x128xbf16>, vector<256x128xf32> -> vector<256x128xf32>
    %max3A_461 = arith.maximumf %max3A_451, %dot_general3A_460 : vector<256x128xf32>
    %slice3A_462 = vector.extract_strided_slice %select_n3A_32 {offsets = [0, 43], sizes = [256, 1], strides = [1, 1]} : vector<256x47xi32> to vector<256x1xi32>
    %iota3A_463 = tpu.iota {dimensions = array<i32: 1>} : vector<256x128xi32>
    %eq3A_464 = vector.broadcast %slice3A_462 : vector<256x1xi32> to vector<256x128xi32>
    %eq3A_465 = arith.cmpi eq, %eq3A_464, %iota3A_463 : vector<256x128xi32>
    %convert_element_type3A_466 = arith.extui %eq3A_465 : vector<256x128xi1> to vector<256x128xi32>
    %convert_element_type3A_467 = arith.sitofp %convert_element_type3A_466 : vector<256x128xi32> to vector<256x128xf32>
    %convert_element_type3A_468 = arith.truncf %convert_element_type3A_467 : vector<256x128xf32> to vector<256x128xbf16>
    %dot_general3A_469 = arith.constant dense<0.000000e+00> : vector<256x128xf32>
    %dot_general3A_470 = tpu.matmul %convert_element_type3A_468, %get3A_35, %dot_general3A_469 {dimension_numbers = #tpu.dot_dimension_numbers<[1], [0], [0], [1], [0, 0, 1, 1], [], []>, transpose_lhs_hint = false} : vector<256x128xbf16>, vector<128x128xbf16>, vector<256x128xf32> -> vector<256x128xf32>
    %max3A_471 = arith.maximumf %max3A_461, %dot_general3A_470 : vector<256x128xf32>
    %slice3A_472 = vector.extract_strided_slice %select_n3A_32 {offsets = [0, 44], sizes = [256, 1], strides = [1, 1]} : vector<256x47xi32> to vector<256x1xi32>
    %iota3A_473 = tpu.iota {dimensions = array<i32: 1>} : vector<256x128xi32>
    %eq3A_474 = vector.broadcast %slice3A_472 : vector<256x1xi32> to vector<256x128xi32>
    %eq3A_475 = arith.cmpi eq, %eq3A_474, %iota3A_473 : vector<256x128xi32>
    %convert_element_type3A_476 = arith.extui %eq3A_475 : vector<256x128xi1> to vector<256x128xi32>
    %convert_element_type3A_477 = arith.sitofp %convert_element_type3A_476 : vector<256x128xi32> to vector<256x128xf32>
    %convert_element_type3A_478 = arith.truncf %convert_element_type3A_477 : vector<256x128xf32> to vector<256x128xbf16>
    %dot_general3A_479 = arith.constant dense<0.000000e+00> : vector<256x128xf32>
    %dot_general3A_480 = tpu.matmul %convert_element_type3A_478, %get3A_35, %dot_general3A_479 {dimension_numbers = #tpu.dot_dimension_numbers<[1], [0], [0], [1], [0, 0, 1, 1], [], []>, transpose_lhs_hint = false} : vector<256x128xbf16>, vector<128x128xbf16>, vector<256x128xf32> -> vector<256x128xf32>
    %max3A_481 = arith.maximumf %max3A_471, %dot_general3A_480 : vector<256x128xf32>
    %slice3A_482 = vector.extract_strided_slice %select_n3A_32 {offsets = [0, 45], sizes = [256, 1], strides = [1, 1]} : vector<256x47xi32> to vector<256x1xi32>
    %iota3A_483 = tpu.iota {dimensions = array<i32: 1>} : vector<256x128xi32>
    %eq3A_484 = vector.broadcast %slice3A_482 : vector<256x1xi32> to vector<256x128xi32>
    %eq3A_485 = arith.cmpi eq, %eq3A_484, %iota3A_483 : vector<256x128xi32>
    %convert_element_type3A_486 = arith.extui %eq3A_485 : vector<256x128xi1> to vector<256x128xi32>
    %convert_element_type3A_487 = arith.sitofp %convert_element_type3A_486 : vector<256x128xi32> to vector<256x128xf32>
    %convert_element_type3A_488 = arith.truncf %convert_element_type3A_487 : vector<256x128xf32> to vector<256x128xbf16>
    %dot_general3A_489 = arith.constant dense<0.000000e+00> : vector<256x128xf32>
    %dot_general3A_490 = tpu.matmul %convert_element_type3A_488, %get3A_35, %dot_general3A_489 {dimension_numbers = #tpu.dot_dimension_numbers<[1], [0], [0], [1], [0, 0, 1, 1], [], []>, transpose_lhs_hint = false} : vector<256x128xbf16>, vector<128x128xbf16>, vector<256x128xf32> -> vector<256x128xf32>
    %max3A_491 = arith.maximumf %max3A_481, %dot_general3A_490 : vector<256x128xf32>
    %slice3A_492 = vector.extract_strided_slice %select_n3A_32 {offsets = [0, 46], sizes = [256, 1], strides = [1, 1]} : vector<256x47xi32> to vector<256x1xi32>
    %iota3A_493 = tpu.iota {dimensions = array<i32: 1>} : vector<256x128xi32>
    %eq3A_494 = vector.broadcast %slice3A_492 : vector<256x1xi32> to vector<256x128xi32>
    %eq3A_495 = arith.cmpi eq, %eq3A_494, %iota3A_493 : vector<256x128xi32>
    %convert_element_type3A_496 = arith.extui %eq3A_495 : vector<256x128xi1> to vector<256x128xi32>
    %convert_element_type3A_497 = arith.sitofp %convert_element_type3A_496 : vector<256x128xi32> to vector<256x128xf32>
    %convert_element_type3A_498 = arith.truncf %convert_element_type3A_497 : vector<256x128xf32> to vector<256x128xbf16>
    %dot_general3A_499 = arith.constant dense<0.000000e+00> : vector<256x128xf32>
    %dot_general3A_500 = tpu.matmul %convert_element_type3A_498, %get3A_35, %dot_general3A_499 {dimension_numbers = #tpu.dot_dimension_numbers<[1], [0], [0], [1], [0, 0, 1, 1], [], []>, transpose_lhs_hint = false} : vector<256x128xbf16>, vector<128x128xbf16>, vector<256x128xf32> -> vector<256x128xf32>
    %max3A_501 = arith.maximumf %max3A_491, %dot_general3A_500 : vector<256x128xf32>
    %swap3A = arith.constant 0 : index
    %swap3A_502 = arith.constant 0 : index
    %swap3A_503 = vector.load %arg3[%swap3A, %swap3A_502] : memref<256x128xf32, #tpu.memory_space<vmem>>, vector<256x128xf32>
    tpu.vector_store %arg3[%swap3A, %swap3A_502], %max3A_501 {strides = array<i32>} : memref<256x128xf32, #tpu.memory_space<vmem>>, vector<256x128xf32>,
    return
  }
  func.func @transform_0(%arg0: i32) -> (i32, i32) {
    %add3A = arith.constant 44 : i32
    %add3A_0 = arith.addi %arg0, %add3A : i32
    %c0_i32 = arith.constant 0 : i32
    %c0_i32_1 = arith.constant 0 : i32
    return %add3A_0, %c0_i32 : i32, i32
  }
  func.func @transform_1(%arg0: i32) -> (i32, i32) {
    %c0_i32 = arith.constant 0 : i32
    %c0_i32_0 = arith.constant 0 : i32
    %c0_i32_1 = arith.constant 0 : i32
    return %c0_i32, %c0_i32_0 : i32, i32
  }
  func.func @transform_2(%arg0: i32) -> (i32, i32) {
    %c0_i32 = arith.constant 0 : i32
    %c0_i32_0 = arith.constant 0 : i32
    return %arg0, %c0_i32 : i32, i32
  }
}

</mosaic_0001>

<sc_bundles>
// kernel: kernel.5.cloned.1.call-start
scs
__scs_entry_jumppad:
0x0: {  	(pc) =	sbr.rel $0x88, $3  }
0x1: {  	(tag) =	ssettag $0x0;
	lr =	simm.s32 $0x1  }
0x2: {  	[smem:$0x3F9D] =	sst lr;
	_ =	strace $0xD0000000  }
0x3: {  	_ = 	snop  }
0x4: {  	_ = 	snop  }
0x5: {  	_ = 	snop  }
0x6: {  	_ = 	snop  }
0x7: {  	_ = 	snop  }
__scs_overlays_trampoline_lowered:
0x8: {  	[smem:$0x3FAC] =	sst s0  }
0x9: {  	[smem:$0x3FAD] =	sst s1  }
0xa: {  	[smem:$0x3FAE] =	sst s2  }
0xb: {  	[smem:$0x3FAF] =	sst s3  }
0xc: {  	[smem:$0x3FB0] =	sst s4  }
0xd: {  	[smem:$0x3FB1] =	sst s5  }
0xe: {  	[smem:$0x3FB2] =	sst s6  }
0xf: {  	[smem:$0x3FB3] =	sst s7  }
0x10: {  	[smem:$0x3FB4] =	sst s8  }
0x11: {  	[smem:$0x3FB5] =	sst s9;
	s0 =	simm.s32 @!p0 $0x0  }
0x12: {  	s1 =	sld [smem:$0x3F9B];
	s0 =	simm.s32 @p0 $0x1  }
0x13: {  	[smem:$0x3FB6] =	sst s0;
	s0 =	simm.s32 @!p1 $0x0  }
0x14: {  	s2 =	sld [smem:$0x3F9A];
	s0 =	simm.s32 @p1 $0x1  }
0x15: {  	[smem:$0x3FB7] =	sst s0;
	s0 =	simm.s32 @!p2 $0x0  }
0x16: {  	s3 =	sld [smem:$0x3FDB];
	s0 =	simm.s32 @p2 $0x1  }
0x17: {  	s4 =	simm.s32 $0x1BF5;
	[smem:$0x3FB9] =	sst s0  }
0x18: {  	s0 =	sld [smem:$0x3F9C];
	_ =	swait.ge [sflag:s4], $0x0  }
0x19: {  	s7 =	sld [smem:$0x3F9D]  }
0x1a: {  	s8 =	sadd.s32 $0xFFFFE003, lr  }
0x1b: {  	s9 =	sadd.s32 $0xFFFFFEF7, lr;
	s5 =	simm.s32 $0xFFFFFFFF;
	p2 =	slt.u32 s8, $0xFFFFF086  }
0x1c: {  	p1 =	slt.u32 s9, $0xF7A;
	s5 =	simm.s32 @!p2 $0x0  }
0x1d: {  	s5 =	simm.s32 @p1 $0x1;
	p0 =	seq.s32 s7, s2  }
0x1e: {  	s7 =	smul.u32 @!p0 $0xF7A, s2;
	p2 =	seq.s32 @!p0 s5, $0x0  }
0x1f: {  	s9 =	smul.u32 $0xF7A, s1;
	s8 =	simm.s32 @!p0 $0x1BF5;
	p2 =	por !p2, p0  }
0x20: {  	[sflag:s8] =	ssyncset.s32 @!p0 $0xFFFFF086;
	s6 =	sadd.s32 @!p0 s3, s7;
	s7 =	simm.s32 @!p0 $0x108  }
0x21: {  	s3 =	sadd.s32 s3, s9;
	s6 =	sadd.s32 @!p0 $0x88, s6;
	s7 =	simm.s32 @p2 $0x1082  }
0x22: {  	[simem:s7], [sflag:s8] =	dma.local @!p0 [hbm:s6], $0xF7A  }
0x23: {  	s9 =	sor.u32 $0xD0000000, s2;
	s6 =	simm.s32 $0x108;
	_ =	swait.ge @!p0 [sflag:s8], $0x0  }
0x24: {  	s3 =	sadd.s32 $0x88, s3;
	s6 =	simm.s32 @!p1 $0x1082;
	[sflag:s4] =	ssyncset.s32 $0xFFFFF086  }
0x25: {  	[simem:s6], [sflag:s4] =	dma.local [hbm:s3], $0xF7A  }
0x26: {  	[smem:$0x3F9D] =	sst s1;
	(tag) =	ssettag s2;
	_ =	strace s9  }
0x27: {  	s1 =	sld [smem:$0x3FAD]  }
0x28: {  	s2 =	sld [smem:$0x3FAE]  }
0x29: {  	s4 =	sld [smem:$0x3FB0]  }
0x2a: {  	p0 =	seq.s32 s5, $0x0;
	s5 =	sld [smem:$0x3FB1]  }
0x2b: {  	s6 =	sld [smem:$0x3FB2]  }
0x2c: {  	s7 =	sld [smem:$0x3FB3]  }
0x2d: {  	s3 =	simm.s32 $0x108;
	s8 =	sld [smem:$0x3FB4]  }
0x2e: {  	s3 =	simm.s32 @!p0 $0x1082;
	s9 =	sld [smem:$0x3FB5]  }
0x2f: {  	lr =	sadd.s32 s0, s3;
	s0 =	sld [smem:$0x3FAC]  }
0x30: {  	s3 =	sld [smem:$0x3FAF]  }
0x31: {  	[smem:$0x3FB8] =	sst s10  }
0x32: {  	s10 =	sld [smem:$0x3FB6];
	_ =	sdelay $0x3  }
0x33: {  	p0 =	seq.s32 s10, $0x1;
	s10 =	sld [smem:$0x3FB8];
	_ =	sdelay $0x3  }
0x34: {  	[smem:$0x3FB8] =	sst s10  }
0x35: {  	s10 =	sld [smem:$0x3FB7];
	_ =	sdelay $0x3  }
0x36: {  	p1 =	seq.s32 s10, $0x1;
	s10 =	sld [smem:$0x3FB8];
	_ =	sdelay $0x3  }
0x37: {  	[smem:$0x3FB8] =	sst s10  }
0x38: {  	s10 =	sld [smem:$0x3FB9]  }
0x39: {  	_ = 	snop;
	(pc) =	sbr.ind lr, $3  }
0x3a: {  	_ = 	snop  }
0x3b: {  	_ = 	snop  }
0x3c: {  	p2 =	seq.s32 s10, $0x1;
	s10 =	sld [smem:$0x3FB8]  }
0x3d: {  	_ =	shalt  }
0x3e: {  	_ =	shalt  }
0x3f: {  	_ =	shalt  }
0x40: {  	_ =	shalt  }
0x41: {  	_ =	shalt  }
0x42: {  	_ =	shalt  }
0x43: {  	_ =	shalt  }
0x44: {  	_ =	shalt  }
0x45: {  	_ =	shalt  }
0x46: {  	_ =	shalt  }
0x47: {  	_ =	shalt  }
0x48: {  	_ =	shalt  }
0x49: {  	_ =	shalt  }
0x4a: {  	_ =	shalt  }
0x4b: {  	_ =	shalt  }
0x4c: {  	_ =	shalt  }
0x4d: {  	_ =	shalt  }
0x4e: {  	_ =	shalt  }
0x4f: {  	_ =	shalt  }
0x50: {  	_ =	shalt  }
0x51: {  	_ =	shalt  }
0x52: {  	_ =	shalt  }
0x53: {  	_ =	shalt  }
0x54: {  	_ =	shalt  }
0x55: {  	_ =	shalt  }
0x56: {  	_ =	shalt  }
0x57: {  	_ =	shalt  }
0x58: {  	_ =	shalt  }
0x59: {  	_ =	shalt  }
0x5a: {  	_ =	shalt  }
0x5b: {  	_ =	shalt  }
0x5c: {  	_ =	shalt  }
0x5d: {  	_ =	shalt  }
0x5e: {  	_ =	shalt  }
0x5f: {  	_ =	shalt  }
0x60: {  	_ =	shalt  }
0x61: {  	_ =	shalt  }
0x62: {  	_ =	shalt  }
0x63: {  	_ =	shalt  }
0x64: {  	_ =	shalt  }
0x65: {  	_ =	shalt  }
0x66: {  	_ =	shalt  }
0x67: {  	_ =	shalt  }
0x68: {  	_ =	shalt  }
0x69: {  	_ =	shalt  }
0x6a: {  	_ =	shalt  }
0x6b: {  	_ =	shalt  }
0x6c: {  	_ =	shalt  }
0x6d: {  	_ =	shalt  }
0x6e: {  	_ =	shalt  }
0x6f: {  	_ =	shalt  }
0x70: {  	_ =	shalt  }
0x71: {  	_ =	shalt  }
0x72: {  	_ =	shalt  }
0x73: {  	_ =	shalt  }
0x74: {  	_ =	shalt  }
0x75: {  	_ =	shalt  }
0x76: {  	_ =	shalt  }
0x77: {  	_ =	shalt  }
0x78: {  	_ =	shalt  }
0x79: {  	_ =	shalt  }
0x7a: {  	_ =	shalt  }
0x7b: {  	_ =	shalt  }
0x7c: {  	_ =	shalt  }
0x7d: {  	_ =	shalt  }
0x7e: {  	_ =	shalt  }
0x7f: {  	_ =	shalt  }
0x80: {  	_ =	shalt  }
0x81: {  	_ =	shalt  }
0x82: {  	_ =	shalt  }
0x83: {  	_ =	shalt  }
0x84: {  	_ =	shalt  }
0x85: {  	_ =	shalt  }
0x86: {  	_ =	shalt  }
0x87: {  	_ =	shalt  }
.Lfunc_end0:
.L_simem_size_0:
called_computation_lowered:
.L_overlay_start_0:
0x88: {  	s2 =	sld [smem:$0x3FD9]  }
0x89: {  	s3 =	sld [smem:$0x3FFE];
	_ =	sdelay $0x1  }
0x8a: {  	s1 =	srdreg.scid  }
0x8b: {  	s0 =	sand.u32 $0x1, s1  }
0x8c: {  	s17 =	sshll.u32 s0, $0xA;
	s2 =	sadd.s32 s3, s2  }
0x8d: {  	s2 =	sadd.s32 s2, s17  }
0x8e: {  	[smem:$0x3FC4] =	sst s2  }
0x8f: {  	_ = 	snop  }
0x90: {  	s2 =	sld [smem:$0x3FD0];
	(tm) =	ssettm $0x1  }
0x91: {  	s18 =	sld [smem:$0x3FFB];
	_ =	sdelay $0x3  }
0x92: {  	_ =	strace s18  }
0x93: {  	s3 =	sld [smem:$0x3FFC];
	_ =	sdelay $0x3  }
0x94: {  	_ =	strace s3  }
0x95: {  	s3 =	sld [smem:$0x3FFD];
	_ =	sdelay $0x3  }
0x96: {  	_ =	strace s3  }
0x97: {  	_ =	strace $0x8FFFFFFF  }
0x98: {  	s19 =	sld [smem:$0x3FDB];
	_ =	sdelay $0x1  }
0x99: {  	s4 =	simm.s32 $_scs_section_size  }
0x9a: {  	s5 =	simm.s32 $_size__tile_overlayer_lowered;
	s6 =	simm.s32 $_tile_overlayer_lowered  }
0x9b: {  	s22 =	simm.s32 $0x1BFF;
	s21 =	sshll.u32 s6, $0x1;
	s3 =	sadd.s32 s4, s19  }
0x9c: {  	s7 =	simm.s32 $0x0;
	s20 =	sshll.u32 s5, $0x1;
	s5 =	sadd.s32 s21, s3  }
0x9d: {  	[timem:s7], [sflag:s22] =	dma.local [hbm:s5], s20  }
0x9e: {  	_ =	swait.ge [sflag:s22], s20  }
0x9f: {  	s4 =	ssub.s32 $0x0, s20;
	[sflag:s22] =	ssyncset.done $0x0  }
0xa0: {  	[sflag:s22] =	ssyncadd.s32 s4;
	_ =	sdelay $0x1  }
0xa1: {  	s23 =	simm.s32 $0x1B8B  }
0xa2: {  	_ =	swait.ge [sflag:s23], $0x1  }
0xa3: {  	[sflag:s23] =	ssyncset.done $0x0  }
0xa4: {  	s25 =	simm.s32 $0x1B8E;
	s24 =	sld [smem:$0x3FFE];
	[sflag:s23] =	ssyncadd.s32 $0xFFFFFFFF  }
0xa5: {  	s26 =	simm.s32 $execute0_lowered;
	[smem:$0x3FD2] =	sst s25  }
0xa6: {  	s5 =	sshll.u32 s26, $0x1;
	_ =	strace $0x80000046;
	[dreg:$0x1] =	wrdreg $0xFFFFFFFF  }
0xa7: {  	s28 =	simm.s32 $_size_execute0_lowered;
	s3 =	sadd.s32 s3, s5;
	[dreg:$0x0] =	wrdreg $0x0  }
0xa8: {  	s5 =	sshll.u32 s28, $0x1;
	[dreg:$0x2] =	wrdreg s3  }
0xa9: {  	[dreg:$0x3] =	wrdreg s5  }
0xaa: {  	[dreg:$0x4] =	wrdreg $0xC0  }
0xab: {  	_ =	task [dreg:s7], $0x5FFFF  }
0xac: {  	[dreg:$0x1] =	wrdreg $0xFFFFFFFF  }
0xad: {  	[dreg:$0x0] =	wrdreg $0x60  }
0xae: {  	[dreg:$0x2] =	wrdreg s24  }
0xaf: {  	[dreg:$0x3] =	wrdreg s2  }
0xb0: {  	[dreg:$0x4] =	wrdreg $0x9  }
0xb1: {  	_ =	task.clear_ibuf [dreg:s7], $0x5FFFF;
	_ =	strace $0x90000046  }
0xb2: {  	s29 =	simm.s32 $0x9;
	_ =	strace $0x80000048  }
0xb3: {  	_ =	swait.ge [sflag:s29], $0x1  }
0xb4: {  	[sflag:s29] =	ssyncadd.s32 $0xFFFFFFFF  }
0xb5: {  	_ =	strace $0x90000048  }
0xb6: {  	_ =	sfence  }
0xb7: {  	s30 =	sld [smem:$0x0];
	_ =	sdelay $0x2  }
0xb8: {  	s31 =	sshll.u32 s1, $0xD;
	s1 =	sshrl.u32 s1, $0x2  }
0xb9: {  	s3 =	sand.u32 $0x4000, s31;
	s1 =	sadd.s32 s1, s30  }
0xba: {  	s0 =	sor.u32 s3, s0;
	s1 =	sshll.u32 s1, $0x11  }
0xbb: {  	s0 =	sor.u32 s1, s0  }
0xbc: {  	s0 =	sadd.s32 $0x8F2B, s0  }
0xbd: {  	[sflag:s0] =	ssyncadd.remote.s32 $0x1  }
0xbe: {  	_ =	sfence.sel $0xFFFF  }
0xbf: {  	[dreg:$0x0] =	wrdreg $0xFFFFFFFF;
	(pc) =	sbr.abs _section_cstart, $3  }
0xc0: {  	[dreg:$0x1] =	wrdreg $0xFFFFFFFF  }
0xc1: {  	_ =	task.clear_ibuf [dreg:s7], $0x2FFFF;
	_ =	strace $0x9FFFFFFF  }
0xc2: {  	(tm) =	ssettm $0x7FFFFFFF  }
0xc3: {  	_ =	shalt  }
tec
execute0_lowered:
.L_overlay_start_1:
0x0: {  	(tag) =	ssettag $0x1  }
0x1: {  	s1 =	srdreg.scid;
	s3 =	stileid.u32  }
0x2: {  	s1 =	sand.u32 $0x1, s1;
	s3 =	sshll.u32 s3, $0x1  }
0x3: {  	s0 =	rddreg [dreg:$0x0];
	s6 =	simm.s32 $0x0;
	s3 =	sor.u32 s1, s3  }
0x4: {  	[smem:$0x7FF] =	sst s6;
	s4 =	smul.u32 $0x814, s3  }
0x5: {  	s2 =	rddreg [dreg:$0x1];
	_ =	strace $0x80000047;
	s3 =	smul.u32 $0x1600, s3  }
0x6: {  	s1 =	ssub.s32 $0x2, s1;
	s4 =	sadd.s32 s4, s0;
	s0 =	sadd.s32 $0xA00, s0  }
0x7: {  	s5 =	sshrl.u32 s1, $0x1;
	s31 =	sadd.s32 s2, s3;
	[dreg:$0x3] =	wrdreg s0  }
0x8: {  	s29 =	ssub.s32 s1, s5;
	s30 =	sadd.s32 $0x1200, s4;
	[dreg:$0x5] =	wrdreg s31  }
0x9: {  	s0 =	smax.u32 s29, $0x1;
	[dreg:$0x4] =	wrdreg s30  }
0xa: {  	s1 =	simm.s32 $0x1;
	s2 =	simm.s32 $0x0;
	[dreg:$0x6] =	wrdreg s0  }
.LBB2_1:
0xb: {  	[dreg:$0x7] =	wrdreg s2  }
0xc: {  	s0 =	rddreg [dreg:$0x3]  }
0xd: {  	[tilespmem:s6], [sflag:$0x1] =	stream.linear.gather [hbm4b:s0+s6], $0x4000, $0x38;
	[tilespmem:$0x13100] =	vst v63  }
0xe: {  	_ =	swait.ge [sflag:s1], $0x4000  }
0xf: {  	[sflag:s1] =	ssyncset.done $0x0  }
0x10: {  	s31 =	simm.s32 $0x4000;
	s30 =	rddreg [dreg:$0x4];
	[sflag:s1] =	ssyncadd.s32 $0xFFFFC000  }
0x11: {  	[tilespmem:s31], [sflag:$0x1] =	stream.linear.gather [hbm4b:s30+s6], $0x40A0, $0x38;
	[tilespmem:$0x13100] =	vst v63  }
0x12: {  	_ =	swait.ge [sflag:s1], $0x40A0  }
0x13: {  	[sflag:s1] =	ssyncset.done $0x0  }
0x14: {  	s0 =	simm.s32 $0x80;
	[sflag:s1] =	ssyncadd.s32 $0xFFFFBF60;
	s1 =	simm.s32 $0x8120  }
.LBB2_2:
0x15: {  	[dreg:$0x8] =	wrdreg s0  }
0x16: {  	s0 =	rddreg [dreg:$0x8]  }
0x17: {  	s0 =	sshra.s32 s0, $0x2  }
0x18: {  	v0 =	vld [tilespmem:s0+$0x3FE0];
	_ =	sdelay $0x3  }
0x19: {  	v1 =	vld [tilespmem:s0+$0x3FF0]  }
0x1a: {  	v0 =	vshll.u32 v0, $0x9  }
0x1b: {  	v0 =	vshra.s32 v0, $0x2  }
0x1c: {  	(v2sf) =	vpush v0, $0x0  }
0x1d: {  	v2 =	vld [tilespmem:s0+$0x4000];
	(v2sf) =	vpush v0, $0x4  }
0x1e: {  	v1 =	vshll.u32 v1, $0x9;
	(v2sf) =	vpush v0, $0x8  }
0x1f: {  	v1 =	vshra.s32 v1, $0x2;
	(v2sf) =	vpush v0, $0xC  }
0x20: {  	(v2sf) =	vpush v1, $0x0  }
0x21: {  	(v2sf) =	vpush v1, $0x4  }
0x22: {  	v2 =	vshll.u32 v2, $0x9;
	(v2sf) =	vpush v1, $0x8  }
0x23: {  	v2 =	vshra.s32 v2, $0x2;
	(v2sf) =	vpush v1, $0xC  }
0x24: {  	(v2sf) =	vpush v2, $0x0  }
0x25: {  	(v2sf) =	vpush v2, $0x4  }
0x26: {  	(v2sf) =	vpush v2, $0x8  }
0x27: {  	(v2sf) =	vpush v2, $0xC  }
0x28: {  	(v2sf) =	vpush v0, $0x1  }
0x29: {  	(v2sf) =	vpush v0, $0x5  }
0x2a: {  	(v2sf) =	vpush v0, $0x9  }
0x2b: {  	s31 =	spop (v2sf);
	(v2sf) =	vpush v0, $0xD  }
0x2c: {  	v3 =	vld [tilespmem:s31+$0x0];
	s19 =	spop (v2sf);
	(v2sf) =	vpush v1, $0x1  }
0x2d: {  	v4 =	vld [tilespmem:s19+$0x0];
	s18 =	spop (v2sf);
	(v2sf) =	vpush v1, $0x5  }
0x2e: {  	v5 =	vld [tilespmem:s18+$0x0];
	s17 =	spop (v2sf);
	(v2sf) =	vpush v1, $0x9  }
0x2f: {  	v6 =	vld [tilespmem:s17+$0x0];
	s16 =	spop (v2sf);
	(v2sf) =	vpush v1, $0xD  }
0x30: {  	v7 =	vld [tilespmem:s16+$0x0];
	s15 =	spop (v2sf);
	(v2sf) =	vpush v2, $0x1  }
0x31: {  	v8 =	vld [tilespmem:s15+$0x0];
	s14 =	spop (v2sf);
	(v2sf) =	vpush v2, $0x5  }
0x32: {  	v9 =	vld [tilespmem:s14+$0x0];
	s13 =	spop (v2sf);
	(v2sf) =	vpush v2, $0x9  }
0x33: {  	v10 =	vld [tilespmem:s13+$0x0];
	s9 =	spop (v2sf);
	(v2sf) =	vpush v2, $0xD  }
0x34: {  	v11 =	vld [tilespmem:s9+$0x0];
	s8 =	spop (v2sf);
	(v2sf) =	vpush v0, $0x2  }
0x35: {  	v12 =	vld [tilespmem:s8+$0x0];
	s7 =	spop (v2sf);
	(v2sf) =	vpush v0, $0x6  }
0x36: {  	v13 =	vld [tilespmem:s7+$0x0];
	s10 =	spop (v2sf);
	(v2sf) =	vpush v0, $0xA  }
0x37: {  	v14 =	vld [tilespmem:s10+$0x0];
	s6 =	spop (v2sf);
	(v2sf) =	vpush v0, $0xE  }
0x38: {  	v15 =	vld [tilespmem:s6+$0x0];
	s5 =	spop (v2sf);
	(v2sf) =	vpush v1, $0x2  }
0x39: {  	v16 =	vld [tilespmem:s5+$0x0];
	s4 =	spop (v2sf);
	(v2sf) =	vpush v1, $0x6  }
0x3a: {  	v17 =	vld [tilespmem:s4+$0x0];
	s3 =	spop (v2sf);
	(v2sf) =	vpush v1, $0xA  }
0x3b: {  	v18 =	vld [tilespmem:s3+$0x0];
	s2 =	spop (v2sf);
	(v2sf) =	vpush v1, $0xE  }
0x3c: {  	v19 =	vld [tilespmem:s2+$0x0];
	s11 =	spop (v2sf);
	(v2sf) =	vpush v2, $0x2  }
0x3d: {  	v20 =	vld [tilespmem:s11+$0x0];
	s12 =	spop (v2sf);
	(v2sf) =	vpush v2, $0x6  }
0x3e: {  	v21 =	vld [tilespmem:s12+$0x0];
	s20 =	spop (v2sf);
	(v2sf) =	vpush v2, $0xA  }
0x3f: {  	v22 =	vld [tilespmem:s20+$0x0];
	s21 =	spop (v2sf);
	(v2sf) =	vpush v2, $0xE  }
0x40: {  	v23 =	vld [tilespmem:s21+$0x0];
	s22 =	spop (v2sf);
	(v2sf) =	vpush v0, $0x3  }
0x41: {  	v24 =	vld [tilespmem:s22+$0x0];
	s23 =	spop (v2sf);
	(v2sf) =	vpush v0, $0x7  }
0x42: {  	v25 =	vld [tilespmem:s23+$0x0];
	s24 =	spop (v2sf);
	(v2sf) =	vpush v0, $0xB  }
0x43: {  	v26 =	vld [tilespmem:s24+$0x0];
	s25 =	spop (v2sf);
	(v2sf) =	vpush v0, $0xF  }
0x44: {  	v50 =	vld [tilespmem:s25+$0x0];
	s26 =	spop (v2sf);
	(v2sf) =	vpush v1, $0x3  }
0x45: {  	v27 =	vld [tilespmem:s26+$0x0];
	(v2sf) =	vpush v1, $0x7;
	s28 =	spop (v2sf)  }
0x46: {  	v28 =	vld [tilespmem:s28+$0x0];
	(v2sf) =	vpush v1, $0xB;
	s29 =	spop (v2sf)  }
0x47: {  	v29 =	vld [tilespmem:s29+$0x0];
	(v2sf) =	vpush v1, $0xF;
	s30 =	spop (v2sf)  }
0x48: {  	v51 =	vld [tilespmem:s30+$0x0];
	(v2sf) =	vpush v2, $0x3;
	s0 =	spop (v2sf)  }
0x49: {  	[dreg:$0x1a] =	wrdreg s0;
	v30 =	vld [tilespmem:s0+$0x0];
	(v2sf) =	vpush v2, $0x7;
	s0 =	spop (v2sf)  }
0x4a: {  	[dreg:$0x1b] =	wrdreg s0;
	v31 =	vld [tilespmem:s0+$0x0];
	(v2sf) =	vpush v2, $0xB;
	s0 =	spop (v2sf)  }
0x4b: {  	[dreg:$0xa] =	wrdreg s0;
	v53 =	vld [tilespmem:s0+$0x0];
	s0 =	spop (v2sf)  }
0x4c: {  	[dreg:$0xb] =	wrdreg s0;
	v54 =	vld [tilespmem:s0+$0x0];
	s0 =	spop (v2sf)  }
0x4d: {  	v52 =	vmax.bf16 v3, v4;
	[dreg:$0xc] =	wrdreg s0;
	v55 =	vld [tilespmem:s0+$0x0];
	s0 =	spop (v2sf)  }
0x4e: {  	v2 =	vmax.bf16 v52, v5;
	[dreg:$0xd] =	wrdreg s0;
	v56 =	vld [tilespmem:s0+$0x0];
	s0 =	spop (v2sf)  }
0x4f: {  	v2 =	vmax.bf16 v2, v6;
	[dreg:$0xe] =	wrdreg s0;
	v57 =	vld [tilespmem:s0+$0x0];
	s0 =	spop (v2sf)  }
0x50: {  	v2 =	vmax.bf16 v2, v7;
	[dreg:$0xf] =	wrdreg s0;
	v58 =	vld [tilespmem:s0+$0x0];
	s0 =	spop (v2sf)  }
0x51: {  	v2 =	vmax.bf16 v2, v8;
	[dreg:$0x10] =	wrdreg s0;
	v59 =	vld [tilespmem:s0+$0x0];
	s0 =	spop (v2sf)  }
0x52: {  	v2 =	vmax.bf16 v2, v9;
	[dreg:$0x11] =	wrdreg s0;
	v60 =	vld [tilespmem:s0+$0x0];
	s0 =	spop (v2sf)  }
0x53: {  	v0 =	vmax.bf16 v50, v27;
	v2 =	vmax.bf16 v2, v10;
	[dreg:$0x12] =	wrdreg s0;
	v61 =	vld [tilespmem:s0+$0x0];
	s0 =	spop (v2sf)  }
0x54: {  	v0 =	vmax.bf16 v0, v28;
	v2 =	vmax.bf16 v2, v11;
	[dreg:$0x13] =	wrdreg s0;
	v62 =	vld [tilespmem:s0+$0x0];
	s0 =	spop (v2sf)  }
0x55: {  	v63 =	vmax.bf16 v15, v16;
	v0 =	vmax.bf16 v0, v29;
	v2 =	vmax.bf16 v2, v12;
	[dreg:$0x14] =	wrdreg s0;
	v16 =	vld [tilespmem:s0+$0x0];
	s0 =	spop (v2sf)  }
0x56: {  	v2 =	vmax.bf16 v2, v13;
	v13 =	vmax.bf16 v63, v17;
	[dreg:$0x15] =	wrdreg s0;
	v8 =	vmax.bf16 v58, v59;
	v17 =	vld [tilespmem:s0+$0x0];
	s0 =	spop (v2sf)  }
0x57: {  	v0 =	vmax.bf16 v0, v51;
	v13 =	vmax.bf16 v13, v18;
	[dreg:$0x16] =	wrdreg s0;
	v8 =	vmax.bf16 v8, v60;
	v18 =	vld [tilespmem:s0+$0x0];
	s0 =	spop (v2sf)  }
0x58: {  	v0 =	vmax.bf16 v0, v30;
	v13 =	vmax.bf16 v13, v19;
	[dreg:$0x17] =	wrdreg s0;
	v27 =	vmax.bf16 v8, v61;
	v28 =	vld [tilespmem:s0+$0x0];
	s0 =	spop (v2sf)  }
0x59: {  	v0 =	vmax.bf16 v0, v31;
	v29 =	vmax.bf16 v13, v20;
	[dreg:$0x18] =	wrdreg s0;
	v1 =	vmax.bf16 v27, v62;
	v30 =	vld [tilespmem:s0+$0x0];
	s0 =	spop (v2sf)  }
0x5a: {  	v0 =	vmax.bf16 v0, v53;
	v11 =	vmax.bf16 v29, v21;
	v1 =	vmax.bf16 v1, v16;
	v32 =	vld [tilespmem:s0+$0x0]  }
0x5b: {  	v0 =	vmax.bf16 v0, v54;
	v11 =	vmax.bf16 v11, v22;
	v1 =	vmax.bf16 v1, v17  }
0x5c: {  	v0 =	vmax.bf16 v0, v55;
	v33 =	vmax.bf16 v11, v23;
	v1 =	vmax.bf16 v1, v18  }
0x5d: {  	v2 =	vmax.bf16 v2, v14;
	v3 =	vmax.bf16 v33, v24;
	v1 =	vmax.bf16 v1, v28  }
0x5e: {  	v0 =	vmax.bf16 v0, v56;
	v3 =	vmax.bf16 v3, v25;
	v1 =	vmax.bf16 v1, v30  }
0x5f: {  	v0 =	vmax.bf16 v0, v57;
	v3 =	vmax.bf16 v3, v26;
	v1 =	vmax.bf16 v1, v32  }
0x60: {  	v2 =	vmax.bf16 v2, v3;
	v0 =	vmax.bf16 v0, v1  }
0x61: {  	v0 =	vmax.bf16 v2, v0  }
0x62: {  	[tilespmem:s1+$0xFFFFFFE0] =	vst v0  }
0x63: {  	v0 =	vld [tilespmem:s31+$0x10]  }
0x64: {  	v34 =	vld [tilespmem:s19+$0x10]  }
0x65: {  	v35 =	vld [tilespmem:s18+$0x10]  }
0x66: {  	v36 =	vld [tilespmem:s17+$0x10]  }
0x67: {  	v37 =	vld [tilespmem:s16+$0x10]  }
0x68: {  	v38 =	vld [tilespmem:s15+$0x10]  }
0x69: {  	v39 =	vld [tilespmem:s14+$0x10]  }
0x6a: {  	v40 =	vld [tilespmem:s13+$0x10]  }
0x6b: {  	v41 =	vld [tilespmem:s9+$0x10]  }
0x6c: {  	v42 =	vld [tilespmem:s8+$0x10]  }
0x6d: {  	v43 =	vld [tilespmem:s7+$0x10]  }
0x6e: {  	v44 =	vld [tilespmem:s10+$0x10]  }
0x6f: {  	v45 =	vld [tilespmem:s6+$0x10]  }
0x70: {  	v46 =	vld [tilespmem:s5+$0x10]  }
0x71: {  	v47 =	vld [tilespmem:s4+$0x10]  }
0x72: {  	v48 =	vld [tilespmem:s3+$0x10]  }
0x73: {  	v49 =	vld [tilespmem:s2+$0x10]  }
0x74: {  	v50 =	vld [tilespmem:s11+$0x10]  }
0x75: {  	v51 =	vld [tilespmem:s12+$0x10]  }
0x76: {  	v52 =	vld [tilespmem:s20+$0x10]  }
0x77: {  	v53 =	vld [tilespmem:s21+$0x10]  }
0x78: {  	[dreg:$0x9] =	wrdreg s1;
	v54 =	vld [tilespmem:s22+$0x10]  }
0x79: {  	[smem:$0x7FB] =	sst s12;
	v55 =	vld [tilespmem:s23+$0x10]  }
0x7a: {  	[smem:$0x7FC] =	sst s20;
	v56 =	vld [tilespmem:s24+$0x10]  }
0x7b: {  	[smem:$0x7FD] =	sst s21;
	v57 =	vld [tilespmem:s25+$0x10]  }
0x7c: {  	[dreg:$0x19] =	wrdreg s0;
	v58 =	vld [tilespmem:s26+$0x10]  }
0x7d: {  	s0 =	rddreg [dreg:$0xa];
	s1 =	smov.u32 s11;
	v59 =	vld [tilespmem:s28+$0x10]  }
0x7e: {  	s11 =	smov.u32 s20;
	s12 =	smov.u32 s21;
	s20 =	smov.u32 s22;
	v60 =	vld [tilespmem:s29+$0x10]  }
0x7f: {  	s21 =	smov.u32 s23;
	s22 =	smov.u32 s24;
	s23 =	smov.u32 s25;
	v61 =	vld [tilespmem:s30+$0x10]  }
0x80: {  	s24 =	smov.u32 s26;
	s26 =	smov.u32 s29;
	s29 =	rddreg [dreg:$0x1a];
	v32 =	vld [tilespmem:s0+$0x10]  }
0x81: {  	s25 =	smov.u32 s28;
	s28 =	smov.u32 s30;
	s30 =	rddreg [dreg:$0x1b];
	v62 =	vld [tilespmem:s29+$0x10]  }
0x82: {  	s0 =	rddreg [dreg:$0xb];
	v63 =	vld [tilespmem:s30+$0x10];
	v0 =	vmax.bf16 v0, v34  }
0x83: {  	v33 =	vld [tilespmem:s0+$0x10];
	s0 =	rddreg [dreg:$0xc];
	v0 =	vmax.bf16 v0, v35  }
0x84: {  	v34 =	vld [tilespmem:s0+$0x10];
	s0 =	rddreg [dreg:$0xd];
	v0 =	vmax.bf16 v0, v36  }
0x85: {  	v35 =	vld [tilespmem:s0+$0x10];
	s0 =	rddreg [dreg:$0xe];
	v0 =	vmax.bf16 v0, v37  }
0x86: {  	v36 =	vld [tilespmem:s0+$0x10];
	s0 =	rddreg [dreg:$0xf];
	v0 =	vmax.bf16 v0, v38  }
0x87: {  	v37 =	vld [tilespmem:s0+$0x10];
	s0 =	rddreg [dreg:$0x10];
	v0 =	vmax.bf16 v0, v39  }
0x88: {  	v38 =	vld [tilespmem:s0+$0x10];
	s0 =	rddreg [dreg:$0x11];
	v0 =	vmax.bf16 v0, v40  }
0x89: {  	v39 =	vld [tilespmem:s0+$0x10];
	s0 =	rddreg [dreg:$0x12];
	v0 =	vmax.bf16 v0, v41  }
0x8a: {  	v40 =	vld [tilespmem:s0+$0x10];
	s0 =	rddreg [dreg:$0x13];
	v0 =	vmax.bf16 v0, v42  }
0x8b: {  	v41 =	vld [tilespmem:s0+$0x10];
	s0 =	rddreg [dreg:$0x14];
	v0 =	vmax.bf16 v0, v43  }
0x8c: {  	v42 =	vmax.bf16 v45, v46;
	v43 =	vmax.bf16 v57, v58;
	v0 =	vmax.bf16 v0, v44;
	v44 =	vld [tilespmem:s0+$0x10];
	s0 =	rddreg [dreg:$0x15]  }
0x8d: {  	v11 =	vmax.bf16 v42, v47;
	v6 =	vmax.bf16 v37, v38;
	v12 =	vmax.bf16 v43, v59;
	v45 =	vld [tilespmem:s0+$0x10];
	s0 =	rddreg [dreg:$0x16]  }
0x8e: {  	v11 =	vmax.bf16 v11, v48;
	v6 =	vmax.bf16 v6, v39;
	v12 =	vmax.bf16 v12, v60;
	v46 =	vld [tilespmem:s0+$0x10];
	s0 =	rddreg [dreg:$0x17]  }
0x8f: {  	v11 =	vmax.bf16 v11, v49;
	v6 =	vmax.bf16 v6, v40;
	v12 =	vmax.bf16 v12, v61;
	v47 =	vld [tilespmem:s0+$0x10];
	s0 =	rddreg [dreg:$0x18]  }
0x90: {  	v11 =	vmax.bf16 v11, v50;
	v6 =	vmax.bf16 v6, v41;
	v12 =	vmax.bf16 v12, v62;
	v48 =	vld [tilespmem:s0+$0x10];
	s0 =	rddreg [dreg:$0x19]  }
0x91: {  	v11 =	vmax.bf16 v11, v51;
	v12 =	vmax.bf16 v12, v63;
	v6 =	vmax.bf16 v6, v44;
	v49 =	vld [tilespmem:s0+$0x10]  }
0x92: {  	v11 =	vmax.bf16 v11, v52;
	v1 =	vmax.bf16 v12, v32;
	v6 =	vmax.bf16 v6, v45  }
0x93: {  	v50 =	vmax.bf16 v11, v53;
	v1 =	vmax.bf16 v1, v33;
	v51 =	vmax.bf16 v6, v46  }
0x94: {  	v52 =	vmax.bf16 v50, v54;
	v1 =	vmax.bf16 v1, v34;
	v2 =	vmax.bf16 v51, v47  }
0x95: {  	v53 =	vmax.bf16 v52, v55;
	v1 =	vmax.bf16 v1, v35;
	v2 =	vmax.bf16 v2, v48  }
0x96: {  	v3 =	vmax.bf16 v53, v56;
	v1 =	vmax.bf16 v1, v36;
	v2 =	vmax.bf16 v2, v49  }
0x97: {  	v0 =	vmax.bf16 v0, v3;
	v1 =	vmax.bf16 v1, v2  }
0x98: {  	s0 =	rddreg [dreg:$0x9];
	v0 =	vmax.bf16 v0, v1  }
0x99: {  	[tilespmem:s0+$0xFFFFFFF0] =	vst v0  }
0x9a: {  	v0 =	vld [tilespmem:s31+$0x20]  }
0x9b: {  	v54 =	vld [tilespmem:s19+$0x20]  }
0x9c: {  	v55 =	vld [tilespmem:s18+$0x20]  }
0x9d: {  	v56 =	vld [tilespmem:s17+$0x20]  }
0x9e: {  	v57 =	vld [tilespmem:s16+$0x20]  }
0x9f: {  	v58 =	vld [tilespmem:s15+$0x20]  }
0xa0: {  	v59 =	vld [tilespmem:s14+$0x20]  }
0xa1: {  	v60 =	vld [tilespmem:s13+$0x20]  }
0xa2: {  	v61 =	vld [tilespmem:s9+$0x20]  }
0xa3: {  	v62 =	vld [tilespmem:s8+$0x20]  }
0xa4: {  	v63 =	vld [tilespmem:s7+$0x20]  }
0xa5: {  	v33 =	vld [tilespmem:s10+$0x20]  }
0xa6: {  	v34 =	vld [tilespmem:s6+$0x20]  }
0xa7: {  	v35 =	vld [tilespmem:s5+$0x20]  }
0xa8: {  	v36 =	vld [tilespmem:s4+$0x20]  }
0xa9: {  	[dreg:$0x1c] =	wrdreg s17;
	v37 =	vld [tilespmem:s3+$0x20]  }
0xaa: {  	[dreg:$0x1d] =	wrdreg s16;
	v38 =	vld [tilespmem:s2+$0x20]  }
0xab: {  	[dreg:$0x1e] =	wrdreg s15;
	v39 =	vld [tilespmem:s1+$0x20]  }
0xac: {  	[dreg:$0x1f] =	wrdreg s14;
	v41 =	vld [tilespmem:s11+$0x20]  }
0xad: {  	[smem:$0x7F1] =	sst s13;
	v42 =	vld [tilespmem:s12+$0x20]  }
0xae: {  	[smem:$0x7F2] =	sst s9;
	v43 =	vld [tilespmem:s20+$0x20]  }
0xaf: {  	[smem:$0x7F3] =	sst s8;
	v44 =	vld [tilespmem:s21+$0x20]  }
0xb0: {  	[smem:$0x7F4] =	sst s7;
	v45 =	vld [tilespmem:s22+$0x20]  }
0xb1: {  	[smem:$0x7F5] =	sst s10;
	v46 =	vld [tilespmem:s23+$0x20]  }
0xb2: {  	[smem:$0x7F6] =	sst s6;
	v47 =	vld [tilespmem:s24+$0x20]  }
0xb3: {  	[smem:$0x7F7] =	sst s5;
	v48 =	vld [tilespmem:s25+$0x20]  }
0xb4: {  	[smem:$0x7F9] =	sst s3;
	v49 =	vld [tilespmem:s26+$0x20]  }
0xb5: {  	[smem:$0x7FA] =	sst s2;
	v50 =	vld [tilespmem:s28+$0x20]  }
0xb6: {  	s17 =	sld [smem:$0x7FB];
	v51 =	vld [tilespmem:s29+$0x20]  }
0xb7: {  	v52 =	vld [tilespmem:s30+$0x20];
	s12 =	rddreg [dreg:$0xa]  }
0xb8: {  	s2 =	rddreg [dreg:$0x14];
	v53 =	vld [tilespmem:s12+$0x20]  }
0xb9: {  	s3 =	rddreg [dreg:$0x15];
	v31 =	vld [tilespmem:s2+$0x20]  }
0xba: {  	[smem:$0x7F8] =	sst s4;
	v32 =	vld [tilespmem:s3+$0x20];
	v0 =	vmax.bf16 v0, v54  }
0xbb: {  	s13 =	rddreg [dreg:$0xb];
	v40 =	vld [tilespmem:s17+$0x20];
	v0 =	vmax.bf16 v0, v55  }
0xbc: {  	s14 =	rddreg [dreg:$0xc];
	v54 =	vld [tilespmem:s13+$0x20];
	v0 =	vmax.bf16 v0, v56  }
0xbd: {  	s17 =	rddreg [dreg:$0xf];
	v55 =	vld [tilespmem:s14+$0x20];
	v0 =	vmax.bf16 v0, v57  }
0xbe: {  	s8 =	rddreg [dreg:$0x10];
	v0 =	vmax.bf16 v0, v58;
	v58 =	vld [tilespmem:s17+$0x20]  }
0xbf: {  	s9 =	rddreg [dreg:$0x11];
	v0 =	vmax.bf16 v0, v59;
	v59 =	vld [tilespmem:s8+$0x20]  }
0xc0: {  	s10 =	rddreg [dreg:$0x12];
	v0 =	vmax.bf16 v0, v60;
	v60 =	vld [tilespmem:s9+$0x20]  }
0xc1: {  	s11 =	rddreg [dreg:$0x13];
	v0 =	vmax.bf16 v0, v61;
	v61 =	vld [tilespmem:s10+$0x20]  }
0xc2: {  	s15 =	rddreg [dreg:$0xd];
	v25 =	vmax.bf16 v46, v47;
	v0 =	vmax.bf16 v0, v62;
	v62 =	vld [tilespmem:s11+$0x20]  }
0xc3: {  	s16 =	rddreg [dreg:$0xe];
	v12 =	vmax.bf16 v25, v48;
	v56 =	vld [tilespmem:s15+$0x20];
	v0 =	vmax.bf16 v0, v63;
	v63 =	vmax.bf16 v34, v35  }
0xc4: {  	s4 =	rddreg [dreg:$0x16];
	v12 =	vmax.bf16 v12, v49;
	v57 =	vld [tilespmem:s16+$0x20];
	v11 =	vmax.bf16 v63, v36;
	v6 =	vmax.bf16 v58, v59  }
0xc5: {  	s5 =	rddreg [dreg:$0x17];
	v0 =	vmax.bf16 v0, v33;
	v33 =	vld [tilespmem:s4+$0x20];
	v11 =	vmax.bf16 v11, v37;
	v6 =	vmax.bf16 v6, v60  }
0xc6: {  	s6 =	rddreg [dreg:$0x18];
	v12 =	vmax.bf16 v12, v50;
	v34 =	vld [tilespmem:s5+$0x20];
	v11 =	vmax.bf16 v11, v38;
	v6 =	vmax.bf16 v6, v61  }
0xc7: {  	s7 =	rddreg [dreg:$0x19];
	v12 =	vmax.bf16 v12, v51;
	v35 =	vld [tilespmem:s6+$0x20];
	v11 =	vmax.bf16 v11, v39;
	v6 =	vmax.bf16 v6, v62  }
0xc8: {  	v12 =	vmax.bf16 v12, v52;
	v36 =	vld [tilespmem:s7+$0x20];
	v11 =	vmax.bf16 v11, v40;
	v6 =	vmax.bf16 v6, v31  }
0xc9: {  	v1 =	vmax.bf16 v12, v53;
	v11 =	vmax.bf16 v11, v41;
	v6 =	vmax.bf16 v6, v32  }
0xca: {  	v1 =	vmax.bf16 v1, v54;
	v37 =	vmax.bf16 v11, v42;
	v38 =	vmax.bf16 v6, v33  }
0xcb: {  	v1 =	vmax.bf16 v1, v55;
	v39 =	vmax.bf16 v37, v43;
	v2 =	vmax.bf16 v38, v34  }
0xcc: {  	v1 =	vmax.bf16 v1, v56;
	v40 =	vmax.bf16 v39, v44;
	v2 =	vmax.bf16 v2, v35  }
0xcd: {  	v1 =	vmax.bf16 v1, v57;
	v3 =	vmax.bf16 v40, v45;
	v2 =	vmax.bf16 v2, v36  }
0xce: {  	v0 =	vmax.bf16 v0, v3;
	v1 =	vmax.bf16 v1, v2  }
0xcf: {  	s0 =	rddreg [dreg:$0x9];
	v0 =	vmax.bf16 v0, v1  }
0xd0: {  	[tilespmem:s0+$0x0] =	vst v0  }
0xd1: {  	v0 =	vld [tilespmem:s31+$0x30]  }
0xd2: {  	v41 =	vld [tilespmem:s19+$0x30]  }
0xd3: {  	v42 =	vld [tilespmem:s18+$0x30]  }
0xd4: {  	v57 =	vld [tilespmem:s1+$0x30]  }
0xd5: {  	v61 =	vld [tilespmem:s20+$0x30]  }
0xd6: {  	v62 =	vld [tilespmem:s21+$0x30]  }
0xd7: {  	v63 =	vld [tilespmem:s22+$0x30]  }
0xd8: {  	v33 =	vld [tilespmem:s23+$0x30]  }
0xd9: {  	v34 =	vld [tilespmem:s24+$0x30]  }
0xda: {  	v35 =	vld [tilespmem:s25+$0x30]  }
0xdb: {  	v36 =	vld [tilespmem:s26+$0x30]  }
0xdc: {  	v37 =	vld [tilespmem:s28+$0x30]  }
0xdd: {  	s18 =	rddreg [dreg:$0x1c];
	v38 =	vld [tilespmem:s29+$0x30]  }
0xde: {  	s19 =	rddreg [dreg:$0x1d];
	v39 =	vld [tilespmem:s30+$0x30]  }
0xdf: {  	s31 =	rddreg [dreg:$0x1e];
	v40 =	vld [tilespmem:s12+$0x30]  }
0xe0: {  	v43 =	vld [tilespmem:s18+$0x30];
	s18 =	rddreg [dreg:$0x1f]  }
0xe1: {  	v44 =	vld [tilespmem:s19+$0x30];
	s19 =	sld [smem:$0x7F1]  }
0xe2: {  	v45 =	vld [tilespmem:s31+$0x30];
	s31 =	sld [smem:$0x7F2]  }
0xe3: {  	v46 =	vld [tilespmem:s18+$0x30];
	s18 =	sld [smem:$0x7F3]  }
0xe4: {  	v47 =	vld [tilespmem:s19+$0x30]  }
0xe5: {  	v48 =	vld [tilespmem:s31+$0x30]  }
0xe6: {  	s19 =	sld [smem:$0x7F4];
	v49 =	vld [tilespmem:s18+$0x30]  }
0xe7: {  	s31 =	sld [smem:$0x7F5];
	v0 =	vmax.bf16 v0, v41;
	v41 =	vld [tilespmem:s13+$0x30]  }
0xe8: {  	v0 =	vmax.bf16 v0, v42;
	v42 =	vld [tilespmem:s14+$0x30]  }
0xe9: {  	s18 =	sld [smem:$0x7F6];
	v50 =	vld [tilespmem:s19+$0x30]  }
0xea: {  	v51 =	vld [tilespmem:s31+$0x30]  }
0xeb: {  	v0 =	vmax.bf16 v0, v43;
	v43 =	vld [tilespmem:s15+$0x30]  }
0xec: {  	s19 =	sld [smem:$0x7F7];
	v52 =	vld [tilespmem:s18+$0x30]  }
0xed: {  	s31 =	sld [smem:$0x7F8];
	v0 =	vmax.bf16 v0, v44;
	v44 =	vld [tilespmem:s16+$0x30]  }
0xee: {  	v0 =	vmax.bf16 v0, v45;
	v45 =	vld [tilespmem:s17+$0x30]  }
0xef: {  	s18 =	sld [smem:$0x7F9];
	v53 =	vld [tilespmem:s19+$0x30]  }
0xf0: {  	v54 =	vld [tilespmem:s31+$0x30]  }
0xf1: {  	v0 =	vmax.bf16 v0, v46;
	v46 =	vld [tilespmem:s8+$0x30]  }
0xf2: {  	s19 =	sld [smem:$0x7FA];
	v55 =	vld [tilespmem:s18+$0x30]  }
0xf3: {  	s31 =	sld [smem:$0x7FB];
	v0 =	vmax.bf16 v0, v47;
	v47 =	vld [tilespmem:s9+$0x30]  }
0xf4: {  	v0 =	vmax.bf16 v0, v48;
	v48 =	vld [tilespmem:s10+$0x30]  }
0xf5: {  	s18 =	sld [smem:$0x7FC];
	v56 =	vld [tilespmem:s19+$0x30]  }
0xf6: {  	v58 =	vld [tilespmem:s31+$0x30]  }
0xf7: {  	v0 =	vmax.bf16 v0, v49;
	v49 =	vld [tilespmem:s11+$0x30]  }
0xf8: {  	s19 =	sld [smem:$0x7FD];
	v59 =	vld [tilespmem:s18+$0x30]  }
0xf9: {  	v0 =	vmax.bf16 v0, v50;
	v50 =	vld [tilespmem:s2+$0x30]  }
0xfa: {  	v0 =	vmax.bf16 v0, v51;
	v51 =	vmax.bf16 v52, v53;
	v52 =	vmax.bf16 v33, v34;
	v53 =	vld [tilespmem:s3+$0x30]  }
0xfb: {  	v5 =	vmax.bf16 v45, v46;
	v60 =	vld [tilespmem:s19+$0x30];
	v11 =	vmax.bf16 v51, v54;
	v12 =	vmax.bf16 v52, v35  }
0xfc: {  	v54 =	vld [tilespmem:s4+$0x30];
	v5 =	vmax.bf16 v5, v47;
	v11 =	vmax.bf16 v11, v55;
	v12 =	vmax.bf16 v12, v36  }
0xfd: {  	v55 =	vld [tilespmem:s5+$0x30];
	v5 =	vmax.bf16 v5, v48;
	v11 =	vmax.bf16 v11, v56;
	v12 =	vmax.bf16 v12, v37  }
0xfe: {  	v56 =	vld [tilespmem:s6+$0x30];
	v5 =	vmax.bf16 v5, v49;
	v11 =	vmax.bf16 v11, v57;
	v12 =	vmax.bf16 v12, v38  }
0xff: {  	v57 =	vld [tilespmem:s7+$0x30];
	v5 =	vmax.bf16 v5, v50;
	v11 =	vmax.bf16 v11, v58;
	v12 =	vmax.bf16 v12, v39  }
0x100: {  	v5 =	vmax.bf16 v5, v53;
	v58 =	vmax.bf16 v11, v59;
	v59 =	vmax.bf16 v12, v40  }
0x101: {  	s31 =	rddreg [dreg:$0x8];
	v5 =	vmax.bf16 v5, v54;
	v10 =	vmax.bf16 v58, v60;
	v1 =	vmax.bf16 v59, v41  }
0x102: {  	p0 =	sne.s32 s31, $0x10244;
	v60 =	vmax.bf16 v10, v61;
	v1 =	vmax.bf16 v1, v42;
	v61 =	vmax.bf16 v5, v55  }
.Ltmp0:
0x103: {  	v62 =	vmax.bf16 v60, v62;
	v1 =	vmax.bf16 v1, v43;
	v2 =	vmax.bf16 v61, v56;
	(pc) =	sbr.rel @p0 .LBB2_2-.Ltmp0, $4  }
0x104: {  	v63 =	vmax.bf16 v62, v63;
	v1 =	vmax.bf16 v1, v44;
	v2 =	vmax.bf16 v2, v57  }
0x105: {  	v0 =	vmax.bf16 v0, v63;
	v1 =	vmax.bf16 v1, v2  }
0x106: {  	s1 =	rddreg [dreg:$0x9];
	v0 =	vmax.bf16 v0, v1  }
0x107: {  	s0 =	sadd.s32 $0xBC, s31;
	[tilespmem:s1+$0x10] =	vst v0;
	s1 =	sadd.s32 $0x80, s1  }
0x108: {  	s6 =	simm.s32 $0x0;
	s0 =	rddreg [dreg:$0x5];
	s1 =	simm.s32 $0x8100  }
0x109: {  	[hbm4b:s0+s6] =	stream.linear.scatter [tilespmem:s1], [sflag:$0x1], $0xB000, $0x38;
	[tilespmem:$0x13100] =	vst v63  }
0x10a: {  	s1 =	simm.s32 $0x1  }
0x10b: {  	_ =	swait.ge [sflag:s1], $0xB000  }
0x10c: {  	s2 =	rddreg [dreg:$0x7]  }
0x10d: {  	s31 =	rddreg [dreg:$0x6];
	s2 =	sadd.s32 $0x1, s2  }
0x10e: {  	p0 =	sne.s32 s2, s31  }
.Ltmp1:
0x10f: {  	_ = 	snop;
	(pc) =	sbr.rel @p0 .LBB2_1-.Ltmp1, $3  }
0x110: {  	_ =	sdelay $0x1  }
0x111: {  	[sflag:s1] =	ssyncset.done $0x0  }
0x112: {  	[sflag:s1] =	ssyncadd.s32 $0xFFFF5000  }
0x113: {  	_ =	sfence.sel $0x180000  }
0x114: {  	[bflag:$0x0] =	sbarrier.arrive $0xFFFF  }
0x115: {  	_ =	strace $0x90000047  }
0x116: {  	s0 =	stileid.u32;
	[bflag:$0x2] =	sbarrier.arrive $0xFFFF  }
0x117: {  	p0 =	sne.s32 s0, $0x0;
	s0 =	rddreg [dreg:$0x2]  }
0x118: {  	s0 =	sadd.s32 @!p0 $0x100000, s0  }
0x119: {  	[sflag:s0] =	ssyncadd.tile.s32 @!p0 $0x1;
	_ =	shalt  }
.Lfunc_end2:
_tile_overlayer_lowered:
.L_overlay_start_2:
0x11a: {  	(tag) =	ssettag $0x2  }
0x11b: {  	s0 =	rddreg [dreg:$0x0];
	s2 =	stileid.u32  }
0x11c: {  	s1 =	rddreg [dreg:$0x1];
	p0 =	sne.s32 s2, $0x0  }
0x11d: {  	s3 =	rddreg [dreg:$0x2];
	[bflag:$0x3] =	sbarrier.arrive $0xFFFF;
	s2 =	simm.s32 @!p0 $0x1C01  }
0x11e: {  	[timem:s3], [sflag:s2] =	dma.local @!p0 [hbm:s0], s1  }
0x11f: {  	s0 =	simm.s32 @!p0 $0x1  }
0x120: {  	_ =	swait.ge @!p0 [sflag:s0], s1  }
0x121: {  	s1 =	ssub.s32 @!p0 $0x0, s1;
	[sflag:s0] =	ssyncset.done @!p0 $0x0  }
0x122: {  	[sflag:s0] =	ssyncadd.s32 @!p0 s1  }
0x123: {  	[bflag:$0x3] =	sbarrier.arrive $0xFFFF  }
0x124: {  	_ =	shalt  }

</sc_bundles>
